<compile_context>
chip_gen: v7x
topology: tpu7x:2x2x1
jax: 0.10.2.dev20260603
libtpu: 0.0.44.dev20260713+nightly
codegen_flags: <defaults>
</compile_context>

<pallas_src>
import functools

import jax
import jax.numpy as jnp
from jax import lax
from jax.experimental import pallas as pl
from jax.experimental.pallas import tpu as pltpu
from jax.experimental.pallas import tpu_sc as plsc

VOCAB = 1000000
D = 32
L_SEQ = 200
BATCH = 4096
NB = BATCH * L_SEQ
NC, NS = 2, 16
NW = NC * NS
PER_W = NB // NW
IDXW = 128
CHUNK = 3200
GPC = CHUNK // IDXW
ROWS_PER_CHUNK = CHUNK // L_SEQ
NCHUNK = PER_W // CHUNK

_mesh = plsc.VectorSubcoreMesh(
    core_axis_name="c", subcore_axis_name="s", num_cores=NC, num_subcores=NS
)


@functools.partial(
    pl.kernel,
    out_type=jax.ShapeDtypeStruct((NB, D), jnp.float32),
    mesh=_mesh,
    compiler_params=pltpu.CompilerParams(use_tc_tiling_on_sc=False),
    scratch_types=[
        pltpu.VMEM((CHUNK,), jnp.int32),
        pltpu.VMEM((CHUNK, D), jnp.float32),
        pltpu.VMEM((L_SEQ, D), jnp.float32),
        pltpu.SemaphoreType.DMA,
    ],
)
def _emb_kernel(ids_hbm, tok_hbm, pos_hbm, out_hbm, idx_v, rows_v, pos_v, sem):
    wid = lax.axis_index("s") * NC + lax.axis_index("c")
    base = wid * PER_W

    pltpu.sync_copy(pos_hbm, pos_v)

    def chunk_body(c, carry):
        off = base + c * CHUNK
        pltpu.sync_copy(ids_hbm.at[pl.ds(off, CHUNK)], idx_v)
        copies = []
        for j in range(GPC):
            copies.append(
                pltpu.async_copy(
                    tok_hbm.at[idx_v.at[pl.ds(j * IDXW, IDXW)]],
                    rows_v.at[pl.ds(j * IDXW, IDXW)],
                    sem,
                )
            )
        for cp in copies:
            cp.wait()

        def pos_body(l, carry2):
            p0 = pos_v[l, pl.ds(0, 16)]
            p1 = pos_v[l, pl.ds(16, 16)]
            for g in range(ROWS_PER_CHUNK):
                r = g * L_SEQ + l
                rows_v[r, pl.ds(0, 16)] += p0
                rows_v[r, pl.ds(16, 16)] += p1
            return carry2

        lax.fori_loop(0, L_SEQ, pos_body, 0)

        pltpu.sync_copy(rows_v, out_hbm.at[pl.ds(off, CHUNK)])
        return carry

    lax.fori_loop(0, NCHUNK, chunk_body, 0)


def kernel(input_ids, token_table, position_table):
    ids = input_ids.reshape(NB).astype(jnp.int32)
    out = _emb_kernel(ids, token_table, position_table)
    return out.reshape(BATCH, L_SEQ, D)

# --- scband reference (transcript-rebuilt; emitter-appended) ---
"""Pipeline reference for scband-embedding-21019569946998 (READ-ONLY COPY).

The authoritative reference and input builder live on the scoring server;
editing this copy changes nothing except your own understanding.
"""

import jax, jax.numpy as jnp
import numpy as np

VOCAB_SIZE = 1000000
EMBED_DIM = 32
MAX_LENGTH = 200
BATCH = 4096


def setup_inputs(seed: int = 0) -> dict:
    key = jax.random.key(seed)
    k1, k2, k3 = jax.random.split(key, 3)
    input_ids = jax.random.randint(k1, (BATCH, MAX_LENGTH), 0, VOCAB_SIZE, dtype=jnp.int64 if jax.config.jax_enable_x64 else jnp.int32)
    token_table = jax.random.normal(k2, (VOCAB_SIZE, EMBED_DIM), dtype=jnp.float32) * 0.02
    position_table = jax.random.normal(k3, (MAX_LENGTH, EMBED_DIM), dtype=jnp.float32) * 0.02
    return {"input_ids": input_ids, "token_table": token_table, "position_table": position_table}


def reference(input_ids, token_table, position_table):
    # token embedding lookup: gather rows of token_table
    token_embeddings = jnp.take(token_table, input_ids, axis=0)  # [B, L, D]
    # position ids: arange(max_length) broadcast over batch
    position_ids = jnp.arange(MAX_LENGTH)
    position_embeddings = jnp.take(position_table, position_ids, axis=0)  # [L, D]
    position_embeddings = jnp.broadcast_to(position_embeddings[None, :, :], token_embeddings.shape)
    embeddings = token_embeddings + position_embeddings
    return embeddings

if __name__ == "__main__":
    import jax
    _d = setup_inputs()
    print(jax.jit(kernel)(*tuple(_d.values())))

</pallas_src>

<mosaic_0001>
#map = affine_map<(d0, d1) -> (0)>
#map1 = affine_map<(d0, d1) -> (0, 0)>
module attributes {stable_mosaic.version = 14 : i64} {
  func.func @_emb_kernel(%arg0: i32, %arg1: i32, %arg2: memref<819200xi32, #tpu.memory_space<hbm>>, %arg3: memref<1000000x32xf32, #tpu.memory_space<hbm>>, %arg4: memref<200x32xf32, #tpu.memory_space<hbm>>, %arg5: memref<819200x32xf32, #tpu.memory_space<hbm>>, %arg6: memref<3200xi32, #tpu.memory_space<vmem>>, %arg7: memref<3200x32xf32, #tpu.memory_space<vmem>>, %arg8: memref<200x32xf32, #tpu.memory_space<vmem>>, %arg9: memref<!tpu.dma_semaphore, #tpu.memory_space<semaphore_mem>>) attributes {dimension_semantics = [#tpu.dimension_semantics<core_parallel>, #tpu.dimension_semantics<subcore_parallel>], iteration_bounds = array<i64: 2, 16>, scalar_prefetch = 0 : i64, scratch_operands = 4 : i64, tpu.core_type = #tpu.core_type<sc_vector_subcore>, window_params = [{transform_indices = #map}, {transform_indices = #map1}, {transform_indices = #map1}, {transform_indices = #map1}]} {
    %mul3A = arith.constant 2 : i32
    %mul3A_0 = arith.muli %arg1, %mul3A : i32
    %add3A = arith.addi %mul3A_0, %arg0 : i32
    %mul3A_1 = arith.constant 25600 : i32
    %mul3A_2 = arith.muli %add3A, %mul3A_1 : i32
    "tpu.region"() ({
      %run_scoped3A = tpu.sem_alloc : memref<!tpu.dma_semaphore, #tpu.memory_space<semaphore_mem>>
      tpu.enqueue_dma source(%arg4 : memref<200x32xf32, #tpu.memory_space<hbm>>) target(%arg8 : memref<200x32xf32, #tpu.memory_space<vmem>>) target_semaphore(%run_scoped3A : memref<!tpu.dma_semaphore, #tpu.memory_space<semaphore_mem>>)
      tpu.wait_dma2 semaphore(%run_scoped3A : memref<!tpu.dma_semaphore, #tpu.memory_space<semaphore_mem>>) src(%arg4 : memref<200x32xf32, #tpu.memory_space<hbm>>) dst(%arg8 : memref<200x32xf32, #tpu.memory_space<vmem>>)
      tpu.yield
    }) : () -> ()
    %scan3A = arith.constant 0 : i32
    %scan3A_3 = arith.constant 0 : i32
    %scan3A_4 = arith.constant 8 : i32
    %scan3A_5 = arith.addi %scan3A_3, %scan3A_4 : i32
    %scan3A_6 = arith.constant 1 : i32
    scf.for %scan3A_8 = %scan3A_3 to %scan3A_5 step %scan3A_6  : i32 {
      %mul3A_9 = arith.constant 3200 : i32
      %mul3A_10 = arith.muli %scan3A_8, %mul3A_9 : i32
      %add3A_11 = arith.addi %mul3A_2, %mul3A_10 : i32
      "tpu.region"() ({
        %run_scoped3A = tpu.sem_alloc : memref<!tpu.dma_semaphore, #tpu.memory_space<semaphore_mem>>
        %dma_start3A_416 = tpu.memref_slice %arg2[%add3A_11] : memref<819200xi32, #tpu.memory_space<hbm>> -> memref<3200xi32, #tpu.memory_space<hbm>>
        %dma_start3A_417 = tpu.memref_slice %arg2[%add3A_11] : memref<819200xi32, #tpu.memory_space<hbm>> -> memref<3200xi32, #tpu.memory_space<hbm>>
        tpu.enqueue_dma source(%dma_start3A_417 : memref<3200xi32, #tpu.memory_space<hbm>>) target(%arg6 : memref<3200xi32, #tpu.memory_space<vmem>>) target_semaphore(%run_scoped3A : memref<!tpu.dma_semaphore, #tpu.memory_space<semaphore_mem>>)
        %dma_wait3A_418 = tpu.memref_slice %arg2[%add3A_11] : memref<819200xi32, #tpu.memory_space<hbm>> -> memref<3200xi32, #tpu.memory_space<hbm>>
        %dma_wait3A_419 = tpu.memref_slice %arg2[%add3A_11] : memref<819200xi32, #tpu.memory_space<hbm>> -> memref<3200xi32, #tpu.memory_space<hbm>>
        tpu.wait_dma2 semaphore(%run_scoped3A : memref<!tpu.dma_semaphore, #tpu.memory_space<semaphore_mem>>) src(%dma_wait3A_419 : memref<3200xi32, #tpu.memory_space<hbm>>) dst(%arg6 : memref<3200xi32, #tpu.memory_space<vmem>>)
        tpu.yield
      }) : () -> ()
      %dma_start3A = arith.constant 0 : i32
      %dma_start3A_12 = arith.constant 0 : i32
      %dma_start3A_13 = tpu.memref_slice %arg7[%dma_start3A, %dma_start3A_12] : memref<3200x32xf32, #tpu.memory_space<vmem>> -> memref<128x32xf32, #tpu.memory_space<vmem>>
      %dma_start3A_14 = arith.constant 0 : i32
      %dma_start3A_15 = tpu.memref_slice %arg6[%dma_start3A_14] : memref<3200xi32, #tpu.memory_space<vmem>> -> memref<128xi32, #tpu.memory_space<vmem>>
      %dma_start3A_16 = arith.constant 0 : i32
      %dma_start3A_17 = arith.constant 0 : i32
      %dma_start3A_18 = tpu.memref_slice %arg3[%dma_start3A_16, %dma_start3A_17] : memref<1000000x32xf32, #tpu.memory_space<hbm>> -> memref<1000000x32xf32, #tpu.memory_space<hbm>>
      tpu.enqueue_indirect_dma source(%dma_start3A_18 : memref<1000000x32xf32, #tpu.memory_space<hbm>>) target(%dma_start3A_13 : memref<128x32xf32, #tpu.memory_space<vmem>>) offsets(%dma_start3A_15 : memref<128xi32, #tpu.memory_space<vmem>>) semaphore(%arg9 : memref<!tpu.dma_semaphore, #tpu.memory_space<semaphore_mem>>)
      %dma_start3A_19 = arith.constant 128 : i32
      %dma_start3A_20 = arith.constant 0 : i32
      %dma_start3A_21 = tpu.memref_slice %arg7[%dma_start3A_19, %dma_start3A_20] : memref<3200x32xf32, #tpu.memory_space<vmem>> -> memref<128x32xf32, #tpu.memory_space<vmem>>
      %dma_start3A_22 = arith.constant 128 : i32
      %dma_start3A_23 = tpu.memref_slice %arg6[%dma_start3A_22] : memref<3200xi32, #tpu.memory_space<vmem>> -> memref<128xi32, #tpu.memory_space<vmem>>
      %dma_start3A_24 = arith.constant 0 : i32
      %dma_start3A_25 = arith.constant 0 : i32
      %dma_start3A_26 = tpu.memref_slice %arg3[%dma_start3A_24, %dma_start3A_25] : memref<1000000x32xf32, #tpu.memory_space<hbm>> -> memref<1000000x32xf32, #tpu.memory_space<hbm>>
      tpu.enqueue_indirect_dma source(%dma_start3A_26 : memref<1000000x32xf32, #tpu.memory_space<hbm>>) target(%dma_start3A_21 : memref<128x32xf32, #tpu.memory_space<vmem>>) offsets(%dma_start3A_23 : memref<128xi32, #tpu.memory_space<vmem>>) semaphore(%arg9 : memref<!tpu.dma_semaphore, #tpu.memory_space<semaphore_mem>>)
      %dma_start3A_27 = arith.constant 256 : i32
      %dma_start3A_28 = arith.constant 0 : i32
      %dma_start3A_29 = tpu.memref_slice %arg7[%dma_start3A_27, %dma_start3A_28] : memref<3200x32xf32, #tpu.memory_space<vmem>> -> memref<128x32xf32, #tpu.memory_space<vmem>>
      %dma_start3A_30 = arith.constant 256 : i32
      %dma_start3A_31 = tpu.memref_slice %arg6[%dma_start3A_30] : memref<3200xi32, #tpu.memory_space<vmem>> -> memref<128xi32, #tpu.memory_space<vmem>>
      %dma_start3A_32 = arith.constant 0 : i32
      %dma_start3A_33 = arith.constant 0 : i32
      %dma_start3A_34 = tpu.memref_slice %arg3[%dma_start3A_32, %dma_start3A_33] : memref<1000000x32xf32, #tpu.memory_space<hbm>> -> memref<1000000x32xf32, #tpu.memory_space<hbm>>
      tpu.enqueue_indirect_dma source(%dma_start3A_34 : memref<1000000x32xf32, #tpu.memory_space<hbm>>) target(%dma_start3A_29 : memref<128x32xf32, #tpu.memory_space<vmem>>) offsets(%dma_start3A_31 : memref<128xi32, #tpu.memory_space<vmem>>) semaphore(%arg9 : memref<!tpu.dma_semaphore, #tpu.memory_space<semaphore_mem>>)
      %dma_start3A_35 = arith.constant 384 : i32
      %dma_start3A_36 = arith.constant 0 : i32
      %dma_start3A_37 = tpu.memref_slice %arg7[%dma_start3A_35, %dma_start3A_36] : memref<3200x32xf32, #tpu.memory_space<vmem>> -> memref<128x32xf32, #tpu.memory_space<vmem>>
      %dma_start3A_38 = arith.constant 384 : i32
      %dma_start3A_39 = tpu.memref_slice %arg6[%dma_start3A_38] : memref<3200xi32, #tpu.memory_space<vmem>> -> memref<128xi32, #tpu.memory_space<vmem>>
      %dma_start3A_40 = arith.constant 0 : i32
      %dma_start3A_41 = arith.constant 0 : i32
      %dma_start3A_42 = tpu.memref_slice %arg3[%dma_start3A_40, %dma_start3A_41] : memref<1000000x32xf32, #tpu.memory_space<hbm>> -> memref<1000000x32xf32, #tpu.memory_space<hbm>>
      tpu.enqueue_indirect_dma source(%dma_start3A_42 : memref<1000000x32xf32, #tpu.memory_space<hbm>>) target(%dma_start3A_37 : memref<128x32xf32, #tpu.memory_space<vmem>>) offsets(%dma_start3A_39 : memref<128xi32, #tpu.memory_space<vmem>>) semaphore(%arg9 : memref<!tpu.dma_semaphore, #tpu.memory_space<semaphore_mem>>)
      %dma_start3A_43 = arith.constant 512 : i32
      %dma_start3A_44 = arith.constant 0 : i32
      %dma_start3A_45 = tpu.memref_slice %arg7[%dma_start3A_43, %dma_start3A_44] : memref<3200x32xf32, #tpu.memory_space<vmem>> -> memref<128x32xf32, #tpu.memory_space<vmem>>
      %dma_start3A_46 = arith.constant 512 : i32
      %dma_start3A_47 = tpu.memref_slice %arg6[%dma_start3A_46] : memref<3200xi32, #tpu.memory_space<vmem>> -> memref<128xi32, #tpu.memory_space<vmem>>
      %dma_start3A_48 = arith.constant 0 : i32
      %dma_start3A_49 = arith.constant 0 : i32
      %dma_start3A_50 = tpu.memref_slice %arg3[%dma_start3A_48, %dma_start3A_49] : memref<1000000x32xf32, #tpu.memory_space<hbm>> -> memref<1000000x32xf32, #tpu.memory_space<hbm>>
      tpu.enqueue_indirect_dma source(%dma_start3A_50 : memref<1000000x32xf32, #tpu.memory_space<hbm>>) target(%dma_start3A_45 : memref<128x32xf32, #tpu.memory_space<vmem>>) offsets(%dma_start3A_47 : memref<128xi32, #tpu.memory_space<vmem>>) semaphore(%arg9 : memref<!tpu.dma_semaphore, #tpu.memory_space<semaphore_mem>>)
      %dma_start3A_51 = arith.constant 640 : i32
      %dma_start3A_52 = arith.constant 0 : i32
      %dma_start3A_53 = tpu.memref_slice %arg7[%dma_start3A_51, %dma_start3A_52] : memref<3200x32xf32, #tpu.memory_space<vmem>> -> memref<128x32xf32, #tpu.memory_space<vmem>>
      %dma_start3A_54 = arith.constant 640 : i32
      %dma_start3A_55 = tpu.memref_slice %arg6[%dma_start3A_54] : memref<3200xi32, #tpu.memory_space<vmem>> -> memref<128xi32, #tpu.memory_space<vmem>>
      %dma_start3A_56 = arith.constant 0 : i32
      %dma_start3A_57 = arith.constant 0 : i32
      %dma_start3A_58 = tpu.memref_slice %arg3[%dma_start3A_56, %dma_start3A_57] : memref<1000000x32xf32, #tpu.memory_space<hbm>> -> memref<1000000x32xf32, #tpu.memory_space<hbm>>
      tpu.enqueue_indirect_dma source(%dma_start3A_58 : memref<1000000x32xf32, #tpu.memory_space<hbm>>) target(%dma_start3A_53 : memref<128x32xf32, #tpu.memory_space<vmem>>) offsets(%dma_start3A_55 : memref<128xi32, #tpu.memory_space<vmem>>) semaphore(%arg9 : memref<!tpu.dma_semaphore, #tpu.memory_space<semaphore_mem>>)
      %dma_start3A_59 = arith.constant 768 : i32
      %dma_start3A_60 = arith.constant 0 : i32
      %dma_start3A_61 = tpu.memref_slice %arg7[%dma_start3A_59, %dma_start3A_60] : memref<3200x32xf32, #tpu.memory_space<vmem>> -> memref<128x32xf32, #tpu.memory_space<vmem>>
      %dma_start3A_62 = arith.constant 768 : i32
      %dma_start3A_63 = tpu.memref_slice %arg6[%dma_start3A_62] : memref<3200xi32, #tpu.memory_space<vmem>> -> memref<128xi32, #tpu.memory_space<vmem>>
      %dma_start3A_64 = arith.constant 0 : i32
      %dma_start3A_65 = arith.constant 0 : i32
      %dma_start3A_66 = tpu.memref_slice %arg3[%dma_start3A_64, %dma_start3A_65] : memref<1000000x32xf32, #tpu.memory_space<hbm>> -> memref<1000000x32xf32, #tpu.memory_space<hbm>>
      tpu.enqueue_indirect_dma source(%dma_start3A_66 : memref<1000000x32xf32, #tpu.memory_space<hbm>>) target(%dma_start3A_61 : memref<128x32xf32, #tpu.memory_space<vmem>>) offsets(%dma_start3A_63 : memref<128xi32, #tpu.memory_space<vmem>>) semaphore(%arg9 : memref<!tpu.dma_semaphore, #tpu.memory_space<semaphore_mem>>)
      %dma_start3A_67 = arith.constant 896 : i32
      %dma_start3A_68 = arith.constant 0 : i32
      %dma_start3A_69 = tpu.memref_slice %arg7[%dma_start3A_67, %dma_start3A_68] : memref<3200x32xf32, #tpu.memory_space<vmem>> -> memref<128x32xf32, #tpu.memory_space<vmem>>
      %dma_start3A_70 = arith.constant 896 : i32
      %dma_start3A_71 = tpu.memref_slice %arg6[%dma_start3A_70] : memref<3200xi32, #tpu.memory_space<vmem>> -> memref<128xi32, #tpu.memory_space<vmem>>
      %dma_start3A_72 = arith.constant 0 : i32
      %dma_start3A_73 = arith.constant 0 : i32
      %dma_start3A_74 = tpu.memref_slice %arg3[%dma_start3A_72, %dma_start3A_73] : memref<1000000x32xf32, #tpu.memory_space<hbm>> -> memref<1000000x32xf32, #tpu.memory_space<hbm>>
      tpu.enqueue_indirect_dma source(%dma_start3A_74 : memref<1000000x32xf32, #tpu.memory_space<hbm>>) target(%dma_start3A_69 : memref<128x32xf32, #tpu.memory_space<vmem>>) offsets(%dma_start3A_71 : memref<128xi32, #tpu.memory_space<vmem>>) semaphore(%arg9 : memref<!tpu.dma_semaphore, #tpu.memory_space<semaphore_mem>>)
      %dma_start3A_75 = arith.constant 1024 : i32
      %dma_start3A_76 = arith.constant 0 : i32
      %dma_start3A_77 = tpu.memref_slice %arg7[%dma_start3A_75, %dma_start3A_76] : memref<3200x32xf32, #tpu.memory_space<vmem>> -> memref<128x32xf32, #tpu.memory_space<vmem>>
      %dma_start3A_78 = arith.constant 1024 : i32
      %dma_start3A_79 = tpu.memref_slice %arg6[%dma_start3A_78] : memref<3200xi32, #tpu.memory_space<vmem>> -> memref<128xi32, #tpu.memory_space<vmem>>
      %dma_start3A_80 = arith.constant 0 : i32
      %dma_start3A_81 = arith.constant 0 : i32
      %dma_start3A_82 = tpu.memref_slice %arg3[%dma_start3A_80, %dma_start3A_81] : memref<1000000x32xf32, #tpu.memory_space<hbm>> -> memref<1000000x32xf32, #tpu.memory_space<hbm>>
      tpu.enqueue_indirect_dma source(%dma_start3A_82 : memref<1000000x32xf32, #tpu.memory_space<hbm>>) target(%dma_start3A_77 : memref<128x32xf32, #tpu.memory_space<vmem>>) offsets(%dma_start3A_79 : memref<128xi32, #tpu.memory_space<vmem>>) semaphore(%arg9 : memref<!tpu.dma_semaphore, #tpu.memory_space<semaphore_mem>>)
      %dma_start3A_83 = arith.constant 1152 : i32
      %dma_start3A_84 = arith.constant 0 : i32
      %dma_start3A_85 = tpu.memref_slice %arg7[%dma_start3A_83, %dma_start3A_84] : memref<3200x32xf32, #tpu.memory_space<vmem>> -> memref<128x32xf32, #tpu.memory_space<vmem>>
      %dma_start3A_86 = arith.constant 1152 : i32
      %dma_start3A_87 = tpu.memref_slice %arg6[%dma_start3A_86] : memref<3200xi32, #tpu.memory_space<vmem>> -> memref<128xi32, #tpu.memory_space<vmem>>
      %dma_start3A_88 = arith.constant 0 : i32
      %dma_start3A_89 = arith.constant 0 : i32
      %dma_start3A_90 = tpu.memref_slice %arg3[%dma_start3A_88, %dma_start3A_89] : memref<1000000x32xf32, #tpu.memory_space<hbm>> -> memref<1000000x32xf32, #tpu.memory_space<hbm>>
      tpu.enqueue_indirect_dma source(%dma_start3A_90 : memref<1000000x32xf32, #tpu.memory_space<hbm>>) target(%dma_start3A_85 : memref<128x32xf32, #tpu.memory_space<vmem>>) offsets(%dma_start3A_87 : memref<128xi32, #tpu.memory_space<vmem>>) semaphore(%arg9 : memref<!tpu.dma_semaphore, #tpu.memory_space<semaphore_mem>>)
      %dma_start3A_91 = arith.constant 1280 : i32
      %dma_start3A_92 = arith.constant 0 : i32
      %dma_start3A_93 = tpu.memref_slice %arg7[%dma_start3A_91, %dma_start3A_92] : memref<3200x32xf32, #tpu.memory_space<vmem>> -> memref<128x32xf32, #tpu.memory_space<vmem>>
      %dma_start3A_94 = arith.constant 1280 : i32
      %dma_start3A_95 = tpu.memref_slice %arg6[%dma_start3A_94] : memref<3200xi32, #tpu.memory_space<vmem>> -> memref<128xi32, #tpu.memory_space<vmem>>
      %dma_start3A_96 = arith.constant 0 : i32
      %dma_start3A_97 = arith.constant 0 : i32
      %dma_start3A_98 = tpu.memref_slice %arg3[%dma_start3A_96, %dma_start3A_97] : memref<1000000x32xf32, #tpu.memory_space<hbm>> -> memref<1000000x32xf32, #tpu.memory_space<hbm>>
      tpu.enqueue_indirect_dma source(%dma_start3A_98 : memref<1000000x32xf32, #tpu.memory_space<hbm>>) target(%dma_start3A_93 : memref<128x32xf32, #tpu.memory_space<vmem>>) offsets(%dma_start3A_95 : memref<128xi32, #tpu.memory_space<vmem>>) semaphore(%arg9 : memref<!tpu.dma_semaphore, #tpu.memory_space<semaphore_mem>>)
      %dma_start3A_99 = arith.constant 1408 : i32
      %dma_start3A_100 = arith.constant 0 : i32
      %dma_start3A_101 = tpu.memref_slice %arg7[%dma_start3A_99, %dma_start3A_100] : memref<3200x32xf32, #tpu.memory_space<vmem>> -> memref<128x32xf32, #tpu.memory_space<vmem>>
      %dma_start3A_102 = arith.constant 1408 : i32
      %dma_start3A_103 = tpu.memref_slice %arg6[%dma_start3A_102] : memref<3200xi32, #tpu.memory_space<vmem>> -> memref<128xi32, #tpu.memory_space<vmem>>
      %dma_start3A_104 = arith.constant 0 : i32
      %dma_start3A_105 = arith.constant 0 : i32
      %dma_start3A_106 = tpu.memref_slice %arg3[%dma_start3A_104, %dma_start3A_105] : memref<1000000x32xf32, #tpu.memory_space<hbm>> -> memref<1000000x32xf32, #tpu.memory_space<hbm>>
      tpu.enqueue_indirect_dma source(%dma_start3A_106 : memref<1000000x32xf32, #tpu.memory_space<hbm>>) target(%dma_start3A_101 : memref<128x32xf32, #tpu.memory_space<vmem>>) offsets(%dma_start3A_103 : memref<128xi32, #tpu.memory_space<vmem>>) semaphore(%arg9 : memref<!tpu.dma_semaphore, #tpu.memory_space<semaphore_mem>>)
      %dma_start3A_107 = arith.constant 1536 : i32
      %dma_start3A_108 = arith.constant 0 : i32
      %dma_start3A_109 = tpu.memref_slice %arg7[%dma_start3A_107, %dma_start3A_108] : memref<3200x32xf32, #tpu.memory_space<vmem>> -> memref<128x32xf32, #tpu.memory_space<vmem>>
      %dma_start3A_110 = arith.constant 1536 : i32
      %dma_start3A_111 = tpu.memref_slice %arg6[%dma_start3A_110] : memref<3200xi32, #tpu.memory_space<vmem>> -> memref<128xi32, #tpu.memory_space<vmem>>
      %dma_start3A_112 = arith.constant 0 : i32
      %dma_start3A_113 = arith.constant 0 : i32
      %dma_start3A_114 = tpu.memref_slice %arg3[%dma_start3A_112, %dma_start3A_113] : memref<1000000x32xf32, #tpu.memory_space<hbm>> -> memref<1000000x32xf32, #tpu.memory_space<hbm>>
      tpu.enqueue_indirect_dma source(%dma_start3A_114 : memref<1000000x32xf32, #tpu.memory_space<hbm>>) target(%dma_start3A_109 : memref<128x32xf32, #tpu.memory_space<vmem>>) offsets(%dma_start3A_111 : memref<128xi32, #tpu.memory_space<vmem>>) semaphore(%arg9 : memref<!tpu.dma_semaphore, #tpu.memory_space<semaphore_mem>>)
      %dma_start3A_115 = arith.constant 1664 : i32
      %dma_start3A_116 = arith.constant 0 : i32
      %dma_start3A_117 = tpu.memref_slice %arg7[%dma_start3A_115, %dma_start3A_116] : memref<3200x32xf32, #tpu.memory_space<vmem>> -> memref<128x32xf32, #tpu.memory_space<vmem>>
      %dma_start3A_118 = arith.constant 1664 : i32
      %dma_start3A_119 = tpu.memref_slice %arg6[%dma_start3A_118] : memref<3200xi32, #tpu.memory_space<vmem>> -> memref<128xi32, #tpu.memory_space<vmem>>
      %dma_start3A_120 = arith.constant 0 : i32
      %dma_start3A_121 = arith.constant 0 : i32
      %dma_start3A_122 = tpu.memref_slice %arg3[%dma_start3A_120, %dma_start3A_121] : memref<1000000x32xf32, #tpu.memory_space<hbm>> -> memref<1000000x32xf32, #tpu.memory_space<hbm>>
      tpu.enqueue_indirect_dma source(%dma_start3A_122 : memref<1000000x32xf32, #tpu.memory_space<hbm>>) target(%dma_start3A_117 : memref<128x32xf32, #tpu.memory_space<vmem>>) offsets(%dma_start3A_119 : memref<128xi32, #tpu.memory_space<vmem>>) semaphore(%arg9 : memref<!tpu.dma_semaphore, #tpu.memory_space<semaphore_mem>>)
      %dma_start3A_123 = arith.constant 1792 : i32
      %dma_start3A_124 = arith.constant 0 : i32
      %dma_start3A_125 = tpu.memref_slice %arg7[%dma_start3A_123, %dma_start3A_124] : memref<3200x32xf32, #tpu.memory_space<vmem>> -> memref<128x32xf32, #tpu.memory_space<vmem>>
      %dma_start3A_126 = arith.constant 1792 : i32
      %dma_start3A_127 = tpu.memref_slice %arg6[%dma_start3A_126] : memref<3200xi32, #tpu.memory_space<vmem>> -> memref<128xi32, #tpu.memory_space<vmem>>
      %dma_start3A_128 = arith.constant 0 : i32
      %dma_start3A_129 = arith.constant 0 : i32
      %dma_start3A_130 = tpu.memref_slice %arg3[%dma_start3A_128, %dma_start3A_129] : memref<1000000x32xf32, #tpu.memory_space<hbm>> -> memref<1000000x32xf32, #tpu.memory_space<hbm>>
      tpu.enqueue_indirect_dma source(%dma_start3A_130 : memref<1000000x32xf32, #tpu.memory_space<hbm>>) target(%dma_start3A_125 : memref<128x32xf32, #tpu.memory_space<vmem>>) offsets(%dma_start3A_127 : memref<128xi32, #tpu.memory_space<vmem>>) semaphore(%arg9 : memref<!tpu.dma_semaphore, #tpu.memory_space<semaphore_mem>>)
      %dma_start3A_131 = arith.constant 1920 : i32
      %dma_start3A_132 = arith.constant 0 : i32
      %dma_start3A_133 = tpu.memref_slice %arg7[%dma_start3A_131, %dma_start3A_132] : memref<3200x32xf32, #tpu.memory_space<vmem>> -> memref<128x32xf32, #tpu.memory_space<vmem>>
      %dma_start3A_134 = arith.constant 1920 : i32
      %dma_start3A_135 = tpu.memref_slice %arg6[%dma_start3A_134] : memref<3200xi32, #tpu.memory_space<vmem>> -> memref<128xi32, #tpu.memory_space<vmem>>
      %dma_start3A_136 = arith.constant 0 : i32
      %dma_start3A_137 = arith.constant 0 : i32
      %dma_start3A_138 = tpu.memref_slice %arg3[%dma_start3A_136, %dma_start3A_137] : memref<1000000x32xf32, #tpu.memory_space<hbm>> -> memref<1000000x32xf32, #tpu.memory_space<hbm>>
      tpu.enqueue_indirect_dma source(%dma_start3A_138 : memref<1000000x32xf32, #tpu.memory_space<hbm>>) target(%dma_start3A_133 : memref<128x32xf32, #tpu.memory_space<vmem>>) offsets(%dma_start3A_135 : memref<128xi32, #tpu.memory_space<vmem>>) semaphore(%arg9 : memref<!tpu.dma_semaphore, #tpu.memory_space<semaphore_mem>>)
      %dma_start3A_139 = arith.constant 2048 : i32
      %dma_start3A_140 = arith.constant 0 : i32
      %dma_start3A_141 = tpu.memref_slice %arg7[%dma_start3A_139, %dma_start3A_140] : memref<3200x32xf32, #tpu.memory_space<vmem>> -> memref<128x32xf32, #tpu.memory_space<vmem>>
      %dma_start3A_142 = arith.constant 2048 : i32
      %dma_start3A_143 = tpu.memref_slice %arg6[%dma_start3A_142] : memref<3200xi32, #tpu.memory_space<vmem>> -> memref<128xi32, #tpu.memory_space<vmem>>
      %dma_start3A_144 = arith.constant 0 : i32
      %dma_start3A_145 = arith.constant 0 : i32
      %dma_start3A_146 = tpu.memref_slice %arg3[%dma_start3A_144, %dma_start3A_145] : memref<1000000x32xf32, #tpu.memory_space<hbm>> -> memref<1000000x32xf32, #tpu.memory_space<hbm>>
      tpu.enqueue_indirect_dma source(%dma_start3A_146 : memref<1000000x32xf32, #tpu.memory_space<hbm>>) target(%dma_start3A_141 : memref<128x32xf32, #tpu.memory_space<vmem>>) offsets(%dma_start3A_143 : memref<128xi32, #tpu.memory_space<vmem>>) semaphore(%arg9 : memref<!tpu.dma_semaphore, #tpu.memory_space<semaphore_mem>>)
      %dma_start3A_147 = arith.constant 2176 : i32
      %dma_start3A_148 = arith.constant 0 : i32
      %dma_start3A_149 = tpu.memref_slice %arg7[%dma_start3A_147, %dma_start3A_148] : memref<3200x32xf32, #tpu.memory_space<vmem>> -> memref<128x32xf32, #tpu.memory_space<vmem>>
      %dma_start3A_150 = arith.constant 2176 : i32
      %dma_start3A_151 = tpu.memref_slice %arg6[%dma_start3A_150] : memref<3200xi32, #tpu.memory_space<vmem>> -> memref<128xi32, #tpu.memory_space<vmem>>
      %dma_start3A_152 = arith.constant 0 : i32
      %dma_start3A_153 = arith.constant 0 : i32
      %dma_start3A_154 = tpu.memref_slice %arg3[%dma_start3A_152, %dma_start3A_153] : memref<1000000x32xf32, #tpu.memory_space<hbm>> -> memref<1000000x32xf32, #tpu.memory_space<hbm>>
      tpu.enqueue_indirect_dma source(%dma_start3A_154 : memref<1000000x32xf32, #tpu.memory_space<hbm>>) target(%dma_start3A_149 : memref<128x32xf32, #tpu.memory_space<vmem>>) offsets(%dma_start3A_151 : memref<128xi32, #tpu.memory_space<vmem>>) semaphore(%arg9 : memref<!tpu.dma_semaphore, #tpu.memory_space<semaphore_mem>>)
      %dma_start3A_155 = arith.constant 2304 : i32
      %dma_start3A_156 = arith.constant 0 : i32
      %dma_start3A_157 = tpu.memref_slice %arg7[%dma_start3A_155, %dma_start3A_156] : memref<3200x32xf32, #tpu.memory_space<vmem>> -> memref<128x32xf32, #tpu.memory_space<vmem>>
      %dma_start3A_158 = arith.constant 2304 : i32
      %dma_start3A_159 = tpu.memref_slice %arg6[%dma_start3A_158] : memref<3200xi32, #tpu.memory_space<vmem>> -> memref<128xi32, #tpu.memory_space<vmem>>
      %dma_start3A_160 = arith.constant 0 : i32
      %dma_start3A_161 = arith.constant 0 : i32
      %dma_start3A_162 = tpu.memref_slice %arg3[%dma_start3A_160, %dma_start3A_161] : memref<1000000x32xf32, #tpu.memory_space<hbm>> -> memref<1000000x32xf32, #tpu.memory_space<hbm>>
      tpu.enqueue_indirect_dma source(%dma_start3A_162 : memref<1000000x32xf32, #tpu.memory_space<hbm>>) target(%dma_start3A_157 : memref<128x32xf32, #tpu.memory_space<vmem>>) offsets(%dma_start3A_159 : memref<128xi32, #tpu.memory_space<vmem>>) semaphore(%arg9 : memref<!tpu.dma_semaphore, #tpu.memory_space<semaphore_mem>>)
      %dma_start3A_163 = arith.constant 2432 : i32
      %dma_start3A_164 = arith.constant 0 : i32
      %dma_start3A_165 = tpu.memref_slice %arg7[%dma_start3A_163, %dma_start3A_164] : memref<3200x32xf32, #tpu.memory_space<vmem>> -> memref<128x32xf32, #tpu.memory_space<vmem>>
      %dma_start3A_166 = arith.constant 2432 : i32
      %dma_start3A_167 = tpu.memref_slice %arg6[%dma_start3A_166] : memref<3200xi32, #tpu.memory_space<vmem>> -> memref<128xi32, #tpu.memory_space<vmem>>
      %dma_start3A_168 = arith.constant 0 : i32
      %dma_start3A_169 = arith.constant 0 : i32
      %dma_start3A_170 = tpu.memref_slice %arg3[%dma_start3A_168, %dma_start3A_169] : memref<1000000x32xf32, #tpu.memory_space<hbm>> -> memref<1000000x32xf32, #tpu.memory_space<hbm>>
      tpu.enqueue_indirect_dma source(%dma_start3A_170 : memref<1000000x32xf32, #tpu.memory_space<hbm>>) target(%dma_start3A_165 : memref<128x32xf32, #tpu.memory_space<vmem>>) offsets(%dma_start3A_167 : memref<128xi32, #tpu.memory_space<vmem>>) semaphore(%arg9 : memref<!tpu.dma_semaphore, #tpu.memory_space<semaphore_mem>>)
      %dma_start3A_171 = arith.constant 2560 : i32
      %dma_start3A_172 = arith.constant 0 : i32
      %dma_start3A_173 = tpu.memref_slice %arg7[%dma_start3A_171, %dma_start3A_172] : memref<3200x32xf32, #tpu.memory_space<vmem>> -> memref<128x32xf32, #tpu.memory_space<vmem>>
      %dma_start3A_174 = arith.constant 2560 : i32
      %dma_start3A_175 = tpu.memref_slice %arg6[%dma_start3A_174] : memref<3200xi32, #tpu.memory_space<vmem>> -> memref<128xi32, #tpu.memory_space<vmem>>
      %dma_start3A_176 = arith.constant 0 : i32
      %dma_start3A_177 = arith.constant 0 : i32
      %dma_start3A_178 = tpu.memref_slice %arg3[%dma_start3A_176, %dma_start3A_177] : memref<1000000x32xf32, #tpu.memory_space<hbm>> -> memref<1000000x32xf32, #tpu.memory_space<hbm>>
      tpu.enqueue_indirect_dma source(%dma_start3A_178 : memref<1000000x32xf32, #tpu.memory_space<hbm>>) target(%dma_start3A_173 : memref<128x32xf32, #tpu.memory_space<vmem>>) offsets(%dma_start3A_175 : memref<128xi32, #tpu.memory_space<vmem>>) semaphore(%arg9 : memref<!tpu.dma_semaphore, #tpu.memory_space<semaphore_mem>>)
      %dma_start3A_179 = arith.constant 2688 : i32
      %dma_start3A_180 = arith.constant 0 : i32
      %dma_start3A_181 = tpu.memref_slice %arg7[%dma_start3A_179, %dma_start3A_180] : memref<3200x32xf32, #tpu.memory_space<vmem>> -> memref<128x32xf32, #tpu.memory_space<vmem>>
      %dma_start3A_182 = arith.constant 2688 : i32
      %dma_start3A_183 = tpu.memref_slice %arg6[%dma_start3A_182] : memref<3200xi32, #tpu.memory_space<vmem>> -> memref<128xi32, #tpu.memory_space<vmem>>
      %dma_start3A_184 = arith.constant 0 : i32
      %dma_start3A_185 = arith.constant 0 : i32
      %dma_start3A_186 = tpu.memref_slice %arg3[%dma_start3A_184, %dma_start3A_185] : memref<1000000x32xf32, #tpu.memory_space<hbm>> -> memref<1000000x32xf32, #tpu.memory_space<hbm>>
      tpu.enqueue_indirect_dma source(%dma_start3A_186 : memref<1000000x32xf32, #tpu.memory_space<hbm>>) target(%dma_start3A_181 : memref<128x32xf32, #tpu.memory_space<vmem>>) offsets(%dma_start3A_183 : memref<128xi32, #tpu.memory_space<vmem>>) semaphore(%arg9 : memref<!tpu.dma_semaphore, #tpu.memory_space<semaphore_mem>>)
      %dma_start3A_187 = arith.constant 2816 : i32
      %dma_start3A_188 = arith.constant 0 : i32
      %dma_start3A_189 = tpu.memref_slice %arg7[%dma_start3A_187, %dma_start3A_188] : memref<3200x32xf32, #tpu.memory_space<vmem>> -> memref<128x32xf32, #tpu.memory_space<vmem>>
      %dma_start3A_190 = arith.constant 2816 : i32
      %dma_start3A_191 = tpu.memref_slice %arg6[%dma_start3A_190] : memref<3200xi32, #tpu.memory_space<vmem>> -> memref<128xi32, #tpu.memory_space<vmem>>
      %dma_start3A_192 = arith.constant 0 : i32
      %dma_start3A_193 = arith.constant 0 : i32
      %dma_start3A_194 = tpu.memref_slice %arg3[%dma_start3A_192, %dma_start3A_193] : memref<1000000x32xf32, #tpu.memory_space<hbm>> -> memref<1000000x32xf32, #tpu.memory_space<hbm>>
      tpu.enqueue_indirect_dma source(%dma_start3A_194 : memref<1000000x32xf32, #tpu.memory_space<hbm>>) target(%dma_start3A_189 : memref<128x32xf32, #tpu.memory_space<vmem>>) offsets(%dma_start3A_191 : memref<128xi32, #tpu.memory_space<vmem>>) semaphore(%arg9 : memref<!tpu.dma_semaphore, #tpu.memory_space<semaphore_mem>>)
      %dma_start3A_195 = arith.constant 2944 : i32
      %dma_start3A_196 = arith.constant 0 : i32
      %dma_start3A_197 = tpu.memref_slice %arg7[%dma_start3A_195, %dma_start3A_196] : memref<3200x32xf32, #tpu.memory_space<vmem>> -> memref<128x32xf32, #tpu.memory_space<vmem>>
      %dma_start3A_198 = arith.constant 2944 : i32
      %dma_start3A_199 = tpu.memref_slice %arg6[%dma_start3A_198] : memref<3200xi32, #tpu.memory_space<vmem>> -> memref<128xi32, #tpu.memory_space<vmem>>
      %dma_start3A_200 = arith.constant 0 : i32
      %dma_start3A_201 = arith.constant 0 : i32
      %dma_start3A_202 = tpu.memref_slice %arg3[%dma_start3A_200, %dma_start3A_201] : memref<1000000x32xf32, #tpu.memory_space<hbm>> -> memref<1000000x32xf32, #tpu.memory_space<hbm>>
      tpu.enqueue_indirect_dma source(%dma_start3A_202 : memref<1000000x32xf32, #tpu.memory_space<hbm>>) target(%dma_start3A_197 : memref<128x32xf32, #tpu.memory_space<vmem>>) offsets(%dma_start3A_199 : memref<128xi32, #tpu.memory_space<vmem>>) semaphore(%arg9 : memref<!tpu.dma_semaphore, #tpu.memory_space<semaphore_mem>>)
      %dma_start3A_203 = arith.constant 3072 : i32
      %dma_start3A_204 = arith.constant 0 : i32
      %dma_start3A_205 = tpu.memref_slice %arg7[%dma_start3A_203, %dma_start3A_204] : memref<3200x32xf32, #tpu.memory_space<vmem>> -> memref<128x32xf32, #tpu.memory_space<vmem>>
      %dma_start3A_206 = arith.constant 3072 : i32
      %dma_start3A_207 = tpu.memref_slice %arg6[%dma_start3A_206] : memref<3200xi32, #tpu.memory_space<vmem>> -> memref<128xi32, #tpu.memory_space<vmem>>
      %dma_start3A_208 = arith.constant 0 : i32
      %dma_start3A_209 = arith.constant 0 : i32
      %dma_start3A_210 = tpu.memref_slice %arg3[%dma_start3A_208, %dma_start3A_209] : memref<1000000x32xf32, #tpu.memory_space<hbm>> -> memref<1000000x32xf32, #tpu.memory_space<hbm>>
      tpu.enqueue_indirect_dma source(%dma_start3A_210 : memref<1000000x32xf32, #tpu.memory_space<hbm>>) target(%dma_start3A_205 : memref<128x32xf32, #tpu.memory_space<vmem>>) offsets(%dma_start3A_207 : memref<128xi32, #tpu.memory_space<vmem>>) semaphore(%arg9 : memref<!tpu.dma_semaphore, #tpu.memory_space<semaphore_mem>>)
      %dma_wait3A = arith.constant 0 : i32
      %dma_wait3A_211 = arith.constant 0 : i32
      %dma_wait3A_212 = tpu.memref_slice %arg7[%dma_wait3A, %dma_wait3A_211] : memref<3200x32xf32, #tpu.memory_space<vmem>> -> memref<128x32xf32, #tpu.memory_space<vmem>>
      %dma_wait3A_213 = arith.constant 0 : i32
      %dma_wait3A_214 = tpu.memref_slice %arg6[%dma_wait3A_213] : memref<3200xi32, #tpu.memory_space<vmem>> -> memref<128xi32, #tpu.memory_space<vmem>>
      %dma_wait3A_215 = arith.constant 0 : i32
      %dma_wait3A_216 = arith.constant 0 : i32
      %dma_wait3A_217 = tpu.memref_slice %arg3[%dma_wait3A_215, %dma_wait3A_216] : memref<1000000x32xf32, #tpu.memory_space<hbm>> -> memref<1000000x32xf32, #tpu.memory_space<hbm>>
      tpu.wait_indirect_dma semaphore(%arg9 : memref<!tpu.dma_semaphore, #tpu.memory_space<semaphore_mem>>) src(%dma_wait3A_217 : memref<1000000x32xf32, #tpu.memory_space<hbm>>) dst(%dma_wait3A_212 : memref<128x32xf32, #tpu.memory_space<vmem>>)
      %dma_wait3A_218 = arith.constant 128 : i32
      %dma_wait3A_219 = arith.constant 0 : i32
      %dma_wait3A_220 = tpu.memref_slice %arg7[%dma_wait3A_218, %dma_wait3A_219] : memref<3200x32xf32, #tpu.memory_space<vmem>> -> memref<128x32xf32, #tpu.memory_space<vmem>>
      %dma_wait3A_221 = arith.constant 128 : i32
      %dma_wait3A_222 = tpu.memref_slice %arg6[%dma_wait3A_221] : memref<3200xi32, #tpu.memory_space<vmem>> -> memref<128xi32, #tpu.memory_space<vmem>>
      %dma_wait3A_223 = arith.constant 0 : i32
      %dma_wait3A_224 = arith.constant 0 : i32
      %dma_wait3A_225 = tpu.memref_slice %arg3[%dma_wait3A_223, %dma_wait3A_224] : memref<1000000x32xf32, #tpu.memory_space<hbm>> -> memref<1000000x32xf32, #tpu.memory_space<hbm>>
      tpu.wait_indirect_dma semaphore(%arg9 : memref<!tpu.dma_semaphore, #tpu.memory_space<semaphore_mem>>) src(%dma_wait3A_225 : memref<1000000x32xf32, #tpu.memory_space<hbm>>) dst(%dma_wait3A_220 : memref<128x32xf32, #tpu.memory_space<vmem>>)
      %dma_wait3A_226 = arith.constant 256 : i32
      %dma_wait3A_227 = arith.constant 0 : i32
      %dma_wait3A_228 = tpu.memref_slice %arg7[%dma_wait3A_226, %dma_wait3A_227] : memref<3200x32xf32, #tpu.memory_space<vmem>> -> memref<128x32xf32, #tpu.memory_space<vmem>>
      %dma_wait3A_229 = arith.constant 256 : i32
      %dma_wait3A_230 = tpu.memref_slice %arg6[%dma_wait3A_229] : memref<3200xi32, #tpu.memory_space<vmem>> -> memref<128xi32, #tpu.memory_space<vmem>>
      %dma_wait3A_231 = arith.constant 0 : i32
      %dma_wait3A_232 = arith.constant 0 : i32
      %dma_wait3A_233 = tpu.memref_slice %arg3[%dma_wait3A_231, %dma_wait3A_232] : memref<1000000x32xf32, #tpu.memory_space<hbm>> -> memref<1000000x32xf32, #tpu.memory_space<hbm>>
      tpu.wait_indirect_dma semaphore(%arg9 : memref<!tpu.dma_semaphore, #tpu.memory_space<semaphore_mem>>) src(%dma_wait3A_233 : memref<1000000x32xf32, #tpu.memory_space<hbm>>) dst(%dma_wait3A_228 : memref<128x32xf32, #tpu.memory_space<vmem>>)
      %dma_wait3A_234 = arith.constant 384 : i32
      %dma_wait3A_235 = arith.constant 0 : i32
      %dma_wait3A_236 = tpu.memref_slice %arg7[%dma_wait3A_234, %dma_wait3A_235] : memref<3200x32xf32, #tpu.memory_space<vmem>> -> memref<128x32xf32, #tpu.memory_space<vmem>>
      %dma_wait3A_237 = arith.constant 384 : i32
      %dma_wait3A_238 = tpu.memref_slice %arg6[%dma_wait3A_237] : memref<3200xi32, #tpu.memory_space<vmem>> -> memref<128xi32, #tpu.memory_space<vmem>>
      %dma_wait3A_239 = arith.constant 0 : i32
      %dma_wait3A_240 = arith.constant 0 : i32
      %dma_wait3A_241 = tpu.memref_slice %arg3[%dma_wait3A_239, %dma_wait3A_240] : memref<1000000x32xf32, #tpu.memory_space<hbm>> -> memref<1000000x32xf32, #tpu.memory_space<hbm>>
      tpu.wait_indirect_dma semaphore(%arg9 : memref<!tpu.dma_semaphore, #tpu.memory_space<semaphore_mem>>) src(%dma_wait3A_241 : memref<1000000x32xf32, #tpu.memory_space<hbm>>) dst(%dma_wait3A_236 : memref<128x32xf32, #tpu.memory_space<vmem>>)
      %dma_wait3A_242 = arith.constant 512 : i32
      %dma_wait3A_243 = arith.constant 0 : i32
      %dma_wait3A_244 = tpu.memref_slice %arg7[%dma_wait3A_242, %dma_wait3A_243] : memref<3200x32xf32, #tpu.memory_space<vmem>> -> memref<128x32xf32, #tpu.memory_space<vmem>>
      %dma_wait3A_245 = arith.constant 512 : i32
      %dma_wait3A_246 = tpu.memref_slice %arg6[%dma_wait3A_245] : memref<3200xi32, #tpu.memory_space<vmem>> -> memref<128xi32, #tpu.memory_space<vmem>>
      %dma_wait3A_247 = arith.constant 0 : i32
      %dma_wait3A_248 = arith.constant 0 : i32
      %dma_wait3A_249 = tpu.memref_slice %arg3[%dma_wait3A_247, %dma_wait3A_248] : memref<1000000x32xf32, #tpu.memory_space<hbm>> -> memref<1000000x32xf32, #tpu.memory_space<hbm>>
      tpu.wait_indirect_dma semaphore(%arg9 : memref<!tpu.dma_semaphore, #tpu.memory_space<semaphore_mem>>) src(%dma_wait3A_249 : memref<1000000x32xf32, #tpu.memory_space<hbm>>) dst(%dma_wait3A_244 : memref<128x32xf32, #tpu.memory_space<vmem>>)
      %dma_wait3A_250 = arith.constant 640 : i32
      %dma_wait3A_251 = arith.constant 0 : i32
      %dma_wait3A_252 = tpu.memref_slice %arg7[%dma_wait3A_250, %dma_wait3A_251] : memref<3200x32xf32, #tpu.memory_space<vmem>> -> memref<128x32xf32, #tpu.memory_space<vmem>>
      %dma_wait3A_253 = arith.constant 640 : i32
      %dma_wait3A_254 = tpu.memref_slice %arg6[%dma_wait3A_253] : memref<3200xi32, #tpu.memory_space<vmem>> -> memref<128xi32, #tpu.memory_space<vmem>>
      %dma_wait3A_255 = arith.constant 0 : i32
      %dma_wait3A_256 = arith.constant 0 : i32
      %dma_wait3A_257 = tpu.memref_slice %arg3[%dma_wait3A_255, %dma_wait3A_256] : memref<1000000x32xf32, #tpu.memory_space<hbm>> -> memref<1000000x32xf32, #tpu.memory_space<hbm>>
      tpu.wait_indirect_dma semaphore(%arg9 : memref<!tpu.dma_semaphore, #tpu.memory_space<semaphore_mem>>) src(%dma_wait3A_257 : memref<1000000x32xf32, #tpu.memory_space<hbm>>) dst(%dma_wait3A_252 : memref<128x32xf32, #tpu.memory_space<vmem>>)
      %dma_wait3A_258 = arith.constant 768 : i32
      %dma_wait3A_259 = arith.constant 0 : i32
      %dma_wait3A_260 = tpu.memref_slice %arg7[%dma_wait3A_258, %dma_wait3A_259] : memref<3200x32xf32, #tpu.memory_space<vmem>> -> memref<128x32xf32, #tpu.memory_space<vmem>>
      %dma_wait3A_261 = arith.constant 768 : i32
      %dma_wait3A_262 = tpu.memref_slice %arg6[%dma_wait3A_261] : memref<3200xi32, #tpu.memory_space<vmem>> -> memref<128xi32, #tpu.memory_space<vmem>>
      %dma_wait3A_263 = arith.constant 0 : i32
      %dma_wait3A_264 = arith.constant 0 : i32
      %dma_wait3A_265 = tpu.memref_slice %arg3[%dma_wait3A_263, %dma_wait3A_264] : memref<1000000x32xf32, #tpu.memory_space<hbm>> -> memref<1000000x32xf32, #tpu.memory_space<hbm>>
      tpu.wait_indirect_dma semaphore(%arg9 : memref<!tpu.dma_semaphore, #tpu.memory_space<semaphore_mem>>) src(%dma_wait3A_265 : memref<1000000x32xf32, #tpu.memory_space<hbm>>) dst(%dma_wait3A_260 : memref<128x32xf32, #tpu.memory_space<vmem>>)
      %dma_wait3A_266 = arith.constant 896 : i32
      %dma_wait3A_267 = arith.constant 0 : i32
      %dma_wait3A_268 = tpu.memref_slice %arg7[%dma_wait3A_266, %dma_wait3A_267] : memref<3200x32xf32, #tpu.memory_space<vmem>> -> memref<128x32xf32, #tpu.memory_space<vmem>>
      %dma_wait3A_269 = arith.constant 896 : i32
      %dma_wait3A_270 = tpu.memref_slice %arg6[%dma_wait3A_269] : memref<3200xi32, #tpu.memory_space<vmem>> -> memref<128xi32, #tpu.memory_space<vmem>>
      %dma_wait3A_271 = arith.constant 0 : i32
      %dma_wait3A_272 = arith.constant 0 : i32
      %dma_wait3A_273 = tpu.memref_slice %arg3[%dma_wait3A_271, %dma_wait3A_272] : memref<1000000x32xf32, #tpu.memory_space<hbm>> -> memref<1000000x32xf32, #tpu.memory_space<hbm>>
      tpu.wait_indirect_dma semaphore(%arg9 : memref<!tpu.dma_semaphore, #tpu.memory_space<semaphore_mem>>) src(%dma_wait3A_273 : memref<1000000x32xf32, #tpu.memory_space<hbm>>) dst(%dma_wait3A_268 : memref<128x32xf32, #tpu.memory_space<vmem>>)
      %dma_wait3A_274 = arith.constant 1024 : i32
      %dma_wait3A_275 = arith.constant 0 : i32
      %dma_wait3A_276 = tpu.memref_slice %arg7[%dma_wait3A_274, %dma_wait3A_275] : memref<3200x32xf32, #tpu.memory_space<vmem>> -> memref<128x32xf32, #tpu.memory_space<vmem>>
      %dma_wait3A_277 = arith.constant 1024 : i32
      %dma_wait3A_278 = tpu.memref_slice %arg6[%dma_wait3A_277] : memref<3200xi32, #tpu.memory_space<vmem>> -> memref<128xi32, #tpu.memory_space<vmem>>
      %dma_wait3A_279 = arith.constant 0 : i32
      %dma_wait3A_280 = arith.constant 0 : i32
      %dma_wait3A_281 = tpu.memref_slice %arg3[%dma_wait3A_279, %dma_wait3A_280] : memref<1000000x32xf32, #tpu.memory_space<hbm>> -> memref<1000000x32xf32, #tpu.memory_space<hbm>>
      tpu.wait_indirect_dma semaphore(%arg9 : memref<!tpu.dma_semaphore, #tpu.memory_space<semaphore_mem>>) src(%dma_wait3A_281 : memref<1000000x32xf32, #tpu.memory_space<hbm>>) dst(%dma_wait3A_276 : memref<128x32xf32, #tpu.memory_space<vmem>>)
      %dma_wait3A_282 = arith.constant 1152 : i32
      %dma_wait3A_283 = arith.constant 0 : i32
      %dma_wait3A_284 = tpu.memref_slice %arg7[%dma_wait3A_282, %dma_wait3A_283] : memref<3200x32xf32, #tpu.memory_space<vmem>> -> memref<128x32xf32, #tpu.memory_space<vmem>>
      %dma_wait3A_285 = arith.constant 1152 : i32
      %dma_wait3A_286 = tpu.memref_slice %arg6[%dma_wait3A_285] : memref<3200xi32, #tpu.memory_space<vmem>> -> memref<128xi32, #tpu.memory_space<vmem>>
      %dma_wait3A_287 = arith.constant 0 : i32
      %dma_wait3A_288 = arith.constant 0 : i32
      %dma_wait3A_289 = tpu.memref_slice %arg3[%dma_wait3A_287, %dma_wait3A_288] : memref<1000000x32xf32, #tpu.memory_space<hbm>> -> memref<1000000x32xf32, #tpu.memory_space<hbm>>
      tpu.wait_indirect_dma semaphore(%arg9 : memref<!tpu.dma_semaphore, #tpu.memory_space<semaphore_mem>>) src(%dma_wait3A_289 : memref<1000000x32xf32, #tpu.memory_space<hbm>>) dst(%dma_wait3A_284 : memref<128x32xf32, #tpu.memory_space<vmem>>)
      %dma_wait3A_290 = arith.constant 1280 : i32
      %dma_wait3A_291 = arith.constant 0 : i32
      %dma_wait3A_292 = tpu.memref_slice %arg7[%dma_wait3A_290, %dma_wait3A_291] : memref<3200x32xf32, #tpu.memory_space<vmem>> -> memref<128x32xf32, #tpu.memory_space<vmem>>
      %dma_wait3A_293 = arith.constant 1280 : i32
      %dma_wait3A_294 = tpu.memref_slice %arg6[%dma_wait3A_293] : memref<3200xi32, #tpu.memory_space<vmem>> -> memref<128xi32, #tpu.memory_space<vmem>>
      %dma_wait3A_295 = arith.constant 0 : i32
      %dma_wait3A_296 = arith.constant 0 : i32
      %dma_wait3A_297 = tpu.memref_slice %arg3[%dma_wait3A_295, %dma_wait3A_296] : memref<1000000x32xf32, #tpu.memory_space<hbm>> -> memref<1000000x32xf32, #tpu.memory_space<hbm>>
      tpu.wait_indirect_dma semaphore(%arg9 : memref<!tpu.dma_semaphore, #tpu.memory_space<semaphore_mem>>) src(%dma_wait3A_297 : memref<1000000x32xf32, #tpu.memory_space<hbm>>) dst(%dma_wait3A_292 : memref<128x32xf32, #tpu.memory_space<vmem>>)
      %dma_wait3A_298 = arith.constant 1408 : i32
      %dma_wait3A_299 = arith.constant 0 : i32
      %dma_wait3A_300 = tpu.memref_slice %arg7[%dma_wait3A_298, %dma_wait3A_299] : memref<3200x32xf32, #tpu.memory_space<vmem>> -> memref<128x32xf32, #tpu.memory_space<vmem>>
      %dma_wait3A_301 = arith.constant 1408 : i32
      %dma_wait3A_302 = tpu.memref_slice %arg6[%dma_wait3A_301] : memref<3200xi32, #tpu.memory_space<vmem>> -> memref<128xi32, #tpu.memory_space<vmem>>
      %dma_wait3A_303 = arith.constant 0 : i32
      %dma_wait3A_304 = arith.constant 0 : i32
      %dma_wait3A_305 = tpu.memref_slice %arg3[%dma_wait3A_303, %dma_wait3A_304] : memref<1000000x32xf32, #tpu.memory_space<hbm>> -> memref<1000000x32xf32, #tpu.memory_space<hbm>>
      tpu.wait_indirect_dma semaphore(%arg9 : memref<!tpu.dma_semaphore, #tpu.memory_space<semaphore_mem>>) src(%dma_wait3A_305 : memref<1000000x32xf32, #tpu.memory_space<hbm>>) dst(%dma_wait3A_300 : memref<128x32xf32, #tpu.memory_space<vmem>>)
      %dma_wait3A_306 = arith.constant 1536 : i32
      %dma_wait3A_307 = arith.constant 0 : i32
      %dma_wait3A_308 = tpu.memref_slice %arg7[%dma_wait3A_306, %dma_wait3A_307] : memref<3200x32xf32, #tpu.memory_space<vmem>> -> memref<128x32xf32, #tpu.memory_space<vmem>>
      %dma_wait3A_309 = arith.constant 1536 : i32
      %dma_wait3A_310 = tpu.memref_slice %arg6[%dma_wait3A_309] : memref<3200xi32, #tpu.memory_space<vmem>> -> memref<128xi32, #tpu.memory_space<vmem>>
      %dma_wait3A_311 = arith.constant 0 : i32
      %dma_wait3A_312 = arith.constant 0 : i32
      %dma_wait3A_313 = tpu.memref_slice %arg3[%dma_wait3A_311, %dma_wait3A_312] : memref<1000000x32xf32, #tpu.memory_space<hbm>> -> memref<1000000x32xf32, #tpu.memory_space<hbm>>
      tpu.wait_indirect_dma semaphore(%arg9 : memref<!tpu.dma_semaphore, #tpu.memory_space<semaphore_mem>>) src(%dma_wait3A_313 : memref<1000000x32xf32, #tpu.memory_space<hbm>>) dst(%dma_wait3A_308 : memref<128x32xf32, #tpu.memory_space<vmem>>)
      %dma_wait3A_314 = arith.constant 1664 : i32
      %dma_wait3A_315 = arith.constant 0 : i32
      %dma_wait3A_316 = tpu.memref_slice %arg7[%dma_wait3A_314, %dma_wait3A_315] : memref<3200x32xf32, #tpu.memory_space<vmem>> -> memref<128x32xf32, #tpu.memory_space<vmem>>
      %dma_wait3A_317 = arith.constant 1664 : i32
      %dma_wait3A_318 = tpu.memref_slice %arg6[%dma_wait3A_317] : memref<3200xi32, #tpu.memory_space<vmem>> -> memref<128xi32, #tpu.memory_space<vmem>>
      %dma_wait3A_319 = arith.constant 0 : i32
      %dma_wait3A_320 = arith.constant 0 : i32
      %dma_wait3A_321 = tpu.memref_slice %arg3[%dma_wait3A_319, %dma_wait3A_320] : memref<1000000x32xf32, #tpu.memory_space<hbm>> -> memref<1000000x32xf32, #tpu.memory_space<hbm>>
      tpu.wait_indirect_dma semaphore(%arg9 : memref<!tpu.dma_semaphore, #tpu.memory_space<semaphore_mem>>) src(%dma_wait3A_321 : memref<1000000x32xf32, #tpu.memory_space<hbm>>) dst(%dma_wait3A_316 : memref<128x32xf32, #tpu.memory_space<vmem>>)
      %dma_wait3A_322 = arith.constant 1792 : i32
      %dma_wait3A_323 = arith.constant 0 : i32
      %dma_wait3A_324 = tpu.memref_slice %arg7[%dma_wait3A_322, %dma_wait3A_323] : memref<3200x32xf32, #tpu.memory_space<vmem>> -> memref<128x32xf32, #tpu.memory_space<vmem>>
      %dma_wait3A_325 = arith.constant 1792 : i32
      %dma_wait3A_326 = tpu.memref_slice %arg6[%dma_wait3A_325] : memref<3200xi32, #tpu.memory_space<vmem>> -> memref<128xi32, #tpu.memory_space<vmem>>
      %dma_wait3A_327 = arith.constant 0 : i32
      %dma_wait3A_328 = arith.constant 0 : i32
      %dma_wait3A_329 = tpu.memref_slice %arg3[%dma_wait3A_327, %dma_wait3A_328] : memref<1000000x32xf32, #tpu.memory_space<hbm>> -> memref<1000000x32xf32, #tpu.memory_space<hbm>>
      tpu.wait_indirect_dma semaphore(%arg9 : memref<!tpu.dma_semaphore, #tpu.memory_space<semaphore_mem>>) src(%dma_wait3A_329 : memref<1000000x32xf32, #tpu.memory_space<hbm>>) dst(%dma_wait3A_324 : memref<128x32xf32, #tpu.memory_space<vmem>>)
      %dma_wait3A_330 = arith.constant 1920 : i32
      %dma_wait3A_331 = arith.constant 0 : i32
      %dma_wait3A_332 = tpu.memref_slice %arg7[%dma_wait3A_330, %dma_wait3A_331] : memref<3200x32xf32, #tpu.memory_space<vmem>> -> memref<128x32xf32, #tpu.memory_space<vmem>>
      %dma_wait3A_333 = arith.constant 1920 : i32
      %dma_wait3A_334 = tpu.memref_slice %arg6[%dma_wait3A_333] : memref<3200xi32, #tpu.memory_space<vmem>> -> memref<128xi32, #tpu.memory_space<vmem>>
      %dma_wait3A_335 = arith.constant 0 : i32
      %dma_wait3A_336 = arith.constant 0 : i32
      %dma_wait3A_337 = tpu.memref_slice %arg3[%dma_wait3A_335, %dma_wait3A_336] : memref<1000000x32xf32, #tpu.memory_space<hbm>> -> memref<1000000x32xf32, #tpu.memory_space<hbm>>
      tpu.wait_indirect_dma semaphore(%arg9 : memref<!tpu.dma_semaphore, #tpu.memory_space<semaphore_mem>>) src(%dma_wait3A_337 : memref<1000000x32xf32, #tpu.memory_space<hbm>>) dst(%dma_wait3A_332 : memref<128x32xf32, #tpu.memory_space<vmem>>)
      %dma_wait3A_338 = arith.constant 2048 : i32
      %dma_wait3A_339 = arith.constant 0 : i32
      %dma_wait3A_340 = tpu.memref_slice %arg7[%dma_wait3A_338, %dma_wait3A_339] : memref<3200x32xf32, #tpu.memory_space<vmem>> -> memref<128x32xf32, #tpu.memory_space<vmem>>
      %dma_wait3A_341 = arith.constant 2048 : i32
      %dma_wait3A_342 = tpu.memref_slice %arg6[%dma_wait3A_341] : memref<3200xi32, #tpu.memory_space<vmem>> -> memref<128xi32, #tpu.memory_space<vmem>>
      %dma_wait3A_343 = arith.constant 0 : i32
      %dma_wait3A_344 = arith.constant 0 : i32
      %dma_wait3A_345 = tpu.memref_slice %arg3[%dma_wait3A_343, %dma_wait3A_344] : memref<1000000x32xf32, #tpu.memory_space<hbm>> -> memref<1000000x32xf32, #tpu.memory_space<hbm>>
      tpu.wait_indirect_dma semaphore(%arg9 : memref<!tpu.dma_semaphore, #tpu.memory_space<semaphore_mem>>) src(%dma_wait3A_345 : memref<1000000x32xf32, #tpu.memory_space<hbm>>) dst(%dma_wait3A_340 : memref<128x32xf32, #tpu.memory_space<vmem>>)
      %dma_wait3A_346 = arith.constant 2176 : i32
      %dma_wait3A_347 = arith.constant 0 : i32
      %dma_wait3A_348 = tpu.memref_slice %arg7[%dma_wait3A_346, %dma_wait3A_347] : memref<3200x32xf32, #tpu.memory_space<vmem>> -> memref<128x32xf32, #tpu.memory_space<vmem>>
      %dma_wait3A_349 = arith.constant 2176 : i32
      %dma_wait3A_350 = tpu.memref_slice %arg6[%dma_wait3A_349] : memref<3200xi32, #tpu.memory_space<vmem>> -> memref<128xi32, #tpu.memory_space<vmem>>
      %dma_wait3A_351 = arith.constant 0 : i32
      %dma_wait3A_352 = arith.constant 0 : i32
      %dma_wait3A_353 = tpu.memref_slice %arg3[%dma_wait3A_351, %dma_wait3A_352] : memref<1000000x32xf32, #tpu.memory_space<hbm>> -> memref<1000000x32xf32, #tpu.memory_space<hbm>>
      tpu.wait_indirect_dma semaphore(%arg9 : memref<!tpu.dma_semaphore, #tpu.memory_space<semaphore_mem>>) src(%dma_wait3A_353 : memref<1000000x32xf32, #tpu.memory_space<hbm>>) dst(%dma_wait3A_348 : memref<128x32xf32, #tpu.memory_space<vmem>>)
      %dma_wait3A_354 = arith.constant 2304 : i32
      %dma_wait3A_355 = arith.constant 0 : i32
      %dma_wait3A_356 = tpu.memref_slice %arg7[%dma_wait3A_354, %dma_wait3A_355] : memref<3200x32xf32, #tpu.memory_space<vmem>> -> memref<128x32xf32, #tpu.memory_space<vmem>>
      %dma_wait3A_357 = arith.constant 2304 : i32
      %dma_wait3A_358 = tpu.memref_slice %arg6[%dma_wait3A_357] : memref<3200xi32, #tpu.memory_space<vmem>> -> memref<128xi32, #tpu.memory_space<vmem>>
      %dma_wait3A_359 = arith.constant 0 : i32
      %dma_wait3A_360 = arith.constant 0 : i32
      %dma_wait3A_361 = tpu.memref_slice %arg3[%dma_wait3A_359, %dma_wait3A_360] : memref<1000000x32xf32, #tpu.memory_space<hbm>> -> memref<1000000x32xf32, #tpu.memory_space<hbm>>
      tpu.wait_indirect_dma semaphore(%arg9 : memref<!tpu.dma_semaphore, #tpu.memory_space<semaphore_mem>>) src(%dma_wait3A_361 : memref<1000000x32xf32, #tpu.memory_space<hbm>>) dst(%dma_wait3A_356 : memref<128x32xf32, #tpu.memory_space<vmem>>)
      %dma_wait3A_362 = arith.constant 2432 : i32
      %dma_wait3A_363 = arith.constant 0 : i32
      %dma_wait3A_364 = tpu.memref_slice %arg7[%dma_wait3A_362, %dma_wait3A_363] : memref<3200x32xf32, #tpu.memory_space<vmem>> -> memref<128x32xf32, #tpu.memory_space<vmem>>
      %dma_wait3A_365 = arith.constant 2432 : i32
      %dma_wait3A_366 = tpu.memref_slice %arg6[%dma_wait3A_365] : memref<3200xi32, #tpu.memory_space<vmem>> -> memref<128xi32, #tpu.memory_space<vmem>>
      %dma_wait3A_367 = arith.constant 0 : i32
      %dma_wait3A_368 = arith.constant 0 : i32
      %dma_wait3A_369 = tpu.memref_slice %arg3[%dma_wait3A_367, %dma_wait3A_368] : memref<1000000x32xf32, #tpu.memory_space<hbm>> -> memref<1000000x32xf32, #tpu.memory_space<hbm>>
      tpu.wait_indirect_dma semaphore(%arg9 : memref<!tpu.dma_semaphore, #tpu.memory_space<semaphore_mem>>) src(%dma_wait3A_369 : memref<1000000x32xf32, #tpu.memory_space<hbm>>) dst(%dma_wait3A_364 : memref<128x32xf32, #tpu.memory_space<vmem>>)
      %dma_wait3A_370 = arith.constant 2560 : i32
      %dma_wait3A_371 = arith.constant 0 : i32
      %dma_wait3A_372 = tpu.memref_slice %arg7[%dma_wait3A_370, %dma_wait3A_371] : memref<3200x32xf32, #tpu.memory_space<vmem>> -> memref<128x32xf32, #tpu.memory_space<vmem>>
      %dma_wait3A_373 = arith.constant 2560 : i32
      %dma_wait3A_374 = tpu.memref_slice %arg6[%dma_wait3A_373] : memref<3200xi32, #tpu.memory_space<vmem>> -> memref<128xi32, #tpu.memory_space<vmem>>
      %dma_wait3A_375 = arith.constant 0 : i32
      %dma_wait3A_376 = arith.constant 0 : i32
      %dma_wait3A_377 = tpu.memref_slice %arg3[%dma_wait3A_375, %dma_wait3A_376] : memref<1000000x32xf32, #tpu.memory_space<hbm>> -> memref<1000000x32xf32, #tpu.memory_space<hbm>>
      tpu.wait_indirect_dma semaphore(%arg9 : memref<!tpu.dma_semaphore, #tpu.memory_space<semaphore_mem>>) src(%dma_wait3A_377 : memref<1000000x32xf32, #tpu.memory_space<hbm>>) dst(%dma_wait3A_372 : memref<128x32xf32, #tpu.memory_space<vmem>>)
      %dma_wait3A_378 = arith.constant 2688 : i32
      %dma_wait3A_379 = arith.constant 0 : i32
      %dma_wait3A_380 = tpu.memref_slice %arg7[%dma_wait3A_378, %dma_wait3A_379] : memref<3200x32xf32, #tpu.memory_space<vmem>> -> memref<128x32xf32, #tpu.memory_space<vmem>>
      %dma_wait3A_381 = arith.constant 2688 : i32
      %dma_wait3A_382 = tpu.memref_slice %arg6[%dma_wait3A_381] : memref<3200xi32, #tpu.memory_space<vmem>> -> memref<128xi32, #tpu.memory_space<vmem>>
      %dma_wait3A_383 = arith.constant 0 : i32
      %dma_wait3A_384 = arith.constant 0 : i32
      %dma_wait3A_385 = tpu.memref_slice %arg3[%dma_wait3A_383, %dma_wait3A_384] : memref<1000000x32xf32, #tpu.memory_space<hbm>> -> memref<1000000x32xf32, #tpu.memory_space<hbm>>
      tpu.wait_indirect_dma semaphore(%arg9 : memref<!tpu.dma_semaphore, #tpu.memory_space<semaphore_mem>>) src(%dma_wait3A_385 : memref<1000000x32xf32, #tpu.memory_space<hbm>>) dst(%dma_wait3A_380 : memref<128x32xf32, #tpu.memory_space<vmem>>)
      %dma_wait3A_386 = arith.constant 2816 : i32
      %dma_wait3A_387 = arith.constant 0 : i32
      %dma_wait3A_388 = tpu.memref_slice %arg7[%dma_wait3A_386, %dma_wait3A_387] : memref<3200x32xf32, #tpu.memory_space<vmem>> -> memref<128x32xf32, #tpu.memory_space<vmem>>
      %dma_wait3A_389 = arith.constant 2816 : i32
      %dma_wait3A_390 = tpu.memref_slice %arg6[%dma_wait3A_389] : memref<3200xi32, #tpu.memory_space<vmem>> -> memref<128xi32, #tpu.memory_space<vmem>>
      %dma_wait3A_391 = arith.constant 0 : i32
      %dma_wait3A_392 = arith.constant 0 : i32
      %dma_wait3A_393 = tpu.memref_slice %arg3[%dma_wait3A_391, %dma_wait3A_392] : memref<1000000x32xf32, #tpu.memory_space<hbm>> -> memref<1000000x32xf32, #tpu.memory_space<hbm>>
      tpu.wait_indirect_dma semaphore(%arg9 : memref<!tpu.dma_semaphore, #tpu.memory_space<semaphore_mem>>) src(%dma_wait3A_393 : memref<1000000x32xf32, #tpu.memory_space<hbm>>) dst(%dma_wait3A_388 : memref<128x32xf32, #tpu.memory_space<vmem>>)
      %dma_wait3A_394 = arith.constant 2944 : i32
      %dma_wait3A_395 = arith.constant 0 : i32
      %dma_wait3A_396 = tpu.memref_slice %arg7[%dma_wait3A_394, %dma_wait3A_395] : memref<3200x32xf32, #tpu.memory_space<vmem>> -> memref<128x32xf32, #tpu.memory_space<vmem>>
      %dma_wait3A_397 = arith.constant 2944 : i32
      %dma_wait3A_398 = tpu.memref_slice %arg6[%dma_wait3A_397] : memref<3200xi32, #tpu.memory_space<vmem>> -> memref<128xi32, #tpu.memory_space<vmem>>
      %dma_wait3A_399 = arith.constant 0 : i32
      %dma_wait3A_400 = arith.constant 0 : i32
      %dma_wait3A_401 = tpu.memref_slice %arg3[%dma_wait3A_399, %dma_wait3A_400] : memref<1000000x32xf32, #tpu.memory_space<hbm>> -> memref<1000000x32xf32, #tpu.memory_space<hbm>>
      tpu.wait_indirect_dma semaphore(%arg9 : memref<!tpu.dma_semaphore, #tpu.memory_space<semaphore_mem>>) src(%dma_wait3A_401 : memref<1000000x32xf32, #tpu.memory_space<hbm>>) dst(%dma_wait3A_396 : memref<128x32xf32, #tpu.memory_space<vmem>>)
      %dma_wait3A_402 = arith.constant 3072 : i32
      %dma_wait3A_403 = arith.constant 0 : i32
      %dma_wait3A_404 = tpu.memref_slice %arg7[%dma_wait3A_402, %dma_wait3A_403] : memref<3200x32xf32, #tpu.memory_space<vmem>> -> memref<128x32xf32, #tpu.memory_space<vmem>>
      %dma_wait3A_405 = arith.constant 3072 : i32
      %dma_wait3A_406 = tpu.memref_slice %arg6[%dma_wait3A_405] : memref<3200xi32, #tpu.memory_space<vmem>> -> memref<128xi32, #tpu.memory_space<vmem>>
      %dma_wait3A_407 = arith.constant 0 : i32
      %dma_wait3A_408 = arith.constant 0 : i32
      %dma_wait3A_409 = tpu.memref_slice %arg3[%dma_wait3A_407, %dma_wait3A_408] : memref<1000000x32xf32, #tpu.memory_space<hbm>> -> memref<1000000x32xf32, #tpu.memory_space<hbm>>
      tpu.wait_indirect_dma semaphore(%arg9 : memref<!tpu.dma_semaphore, #tpu.memory_space<semaphore_mem>>) src(%dma_wait3A_409 : memref<1000000x32xf32, #tpu.memory_space<hbm>>) dst(%dma_wait3A_404 : memref<128x32xf32, #tpu.memory_space<vmem>>)
      %scan3A_410 = arith.constant 0 : i32
      %scan3A_411 = arith.constant 0 : i32
      %scan3A_412 = arith.constant 200 : i32
      %scan3A_413 = arith.addi %scan3A_411, %scan3A_412 : i32
      %scan3A_414 = arith.constant 1 : i32
      scf.for %scan3A_416 = %scan3A_411 to %scan3A_413 step %scan3A_414  : i32 {
        %get3A = arith.index_cast %scan3A_416 : i32 to index
        %get3A_417 = arith.constant 0 : index
        %get3A_418 = tpu.vector_load %arg8[%get3A, %get3A_417] {strides = array<i32>} : memref<200x32xf32, #tpu.memory_space<vmem>>, vector<1x16xf32>,
        %get3A_419 = vector.shape_cast %get3A_418 : vector<1x16xf32> to vector<16xf32>
        %get3A_420 = arith.index_cast %scan3A_416 : i32 to index
        %get3A_421 = arith.constant 16 : index
        %get3A_422 = tpu.vector_load %arg8[%get3A_420, %get3A_421] {strides = array<i32>} : memref<200x32xf32, #tpu.memory_space<vmem>>, vector<1x16xf32>,
        %get3A_423 = vector.shape_cast %get3A_422 : vector<1x16xf32> to vector<16xf32>
        %add3A_424 = arith.constant 0 : i32
        %add3A_425 = arith.addi %add3A_424, %scan3A_416 : i32
        %get3A_426 = arith.index_cast %add3A_425 : i32 to index
        %get3A_427 = arith.constant 0 : index
        %get3A_428 = tpu.vector_load %arg7[%get3A_426, %get3A_427] {strides = array<i32>} : memref<3200x32xf32, #tpu.memory_space<vmem>>, vector<1x16xf32>,
        %get3A_429 = vector.shape_cast %get3A_428 : vector<1x16xf32> to vector<16xf32>
        %add3A_430 = arith.addf %get3A_429, %get3A_419 : vector<16xf32>
        %swap3A = arith.index_cast %add3A_425 : i32 to index
        %swap3A_431 = arith.constant 0 : index
        %swap3A_432 = tpu.vector_load %arg7[%swap3A, %swap3A_431] {strides = array<i32>} : memref<3200x32xf32, #tpu.memory_space<vmem>>, vector<1x16xf32>,
        %swap3A_433 = vector.shape_cast %swap3A_432 : vector<1x16xf32> to vector<16xf32>
        %swap3A_434 = vector.shape_cast %add3A_430 : vector<16xf32> to vector<1x16xf32>
        tpu.vector_store %arg7[%swap3A, %swap3A_431], %swap3A_434 {strides = array<i32>} : memref<3200x32xf32, #tpu.memory_space<vmem>>, vector<1x16xf32>,
        %get3A_435 = arith.index_cast %add3A_425 : i32 to index
        %get3A_436 = arith.constant 16 : index
        %get3A_437 = tpu.vector_load %arg7[%get3A_435, %get3A_436] {strides = array<i32>} : memref<3200x32xf32, #tpu.memory_space<vmem>>, vector<1x16xf32>,
        %get3A_438 = vector.shape_cast %get3A_437 : vector<1x16xf32> to vector<16xf32>
        %add3A_439 = arith.addf %get3A_438, %get3A_423 : vector<16xf32>
        %swap3A_440 = arith.index_cast %add3A_425 : i32 to index
        %swap3A_441 = arith.constant 16 : index
        %swap3A_442 = tpu.vector_load %arg7[%swap3A_440, %swap3A_441] {strides = array<i32>} : memref<3200x32xf32, #tpu.memory_space<vmem>>, vector<1x16xf32>,
        %swap3A_443 = vector.shape_cast %swap3A_442 : vector<1x16xf32> to vector<16xf32>
        %swap3A_444 = vector.shape_cast %add3A_439 : vector<16xf32> to vector<1x16xf32>
        tpu.vector_store %arg7[%swap3A_440, %swap3A_441], %swap3A_444 {strides = array<i32>} : memref<3200x32xf32, #tpu.memory_space<vmem>>, vector<1x16xf32>,
        %add3A_445 = arith.constant 200 : i32
        %add3A_446 = arith.addi %add3A_445, %scan3A_416 : i32
        %get3A_447 = arith.index_cast %add3A_446 : i32 to index
        %get3A_448 = arith.constant 0 : index
        %get3A_449 = tpu.vector_load %arg7[%get3A_447, %get3A_448] {strides = array<i32>} : memref<3200x32xf32, #tpu.memory_space<vmem>>, vector<1x16xf32>,
        %get3A_450 = vector.shape_cast %get3A_449 : vector<1x16xf32> to vector<16xf32>
        %add3A_451 = arith.addf %get3A_450, %get3A_419 : vector<16xf32>
        %swap3A_452 = arith.index_cast %add3A_446 : i32 to index
        %swap3A_453 = arith.constant 0 : index
        %swap3A_454 = tpu.vector_load %arg7[%swap3A_452, %swap3A_453] {strides = array<i32>} : memref<3200x32xf32, #tpu.memory_space<vmem>>, vector<1x16xf32>,
        %swap3A_455 = vector.shape_cast %swap3A_454 : vector<1x16xf32> to vector<16xf32>
        %swap3A_456 = vector.shape_cast %add3A_451 : vector<16xf32> to vector<1x16xf32>
        tpu.vector_store %arg7[%swap3A_452, %swap3A_453], %swap3A_456 {strides = array<i32>} : memref<3200x32xf32, #tpu.memory_space<vmem>>, vector<1x16xf32>,
        %get3A_457 = arith.index_cast %add3A_446 : i32 to index
        %get3A_458 = arith.constant 16 : index
        %get3A_459 = tpu.vector_load %arg7[%get3A_457, %get3A_458] {strides = array<i32>} : memref<3200x32xf32, #tpu.memory_space<vmem>>, vector<1x16xf32>,
        %get3A_460 = vector.shape_cast %get3A_459 : vector<1x16xf32> to vector<16xf32>
        %add3A_461 = arith.addf %get3A_460, %get3A_423 : vector<16xf32>
        %swap3A_462 = arith.index_cast %add3A_446 : i32 to index
        %swap3A_463 = arith.constant 16 : index
        %swap3A_464 = tpu.vector_load %arg7[%swap3A_462, %swap3A_463] {strides = array<i32>} : memref<3200x32xf32, #tpu.memory_space<vmem>>, vector<1x16xf32>,
        %swap3A_465 = vector.shape_cast %swap3A_464 : vector<1x16xf32> to vector<16xf32>
        %swap3A_466 = vector.shape_cast %add3A_461 : vector<16xf32> to vector<1x16xf32>
        tpu.vector_store %arg7[%swap3A_462, %swap3A_463], %swap3A_466 {strides = array<i32>} : memref<3200x32xf32, #tpu.memory_space<vmem>>, vector<1x16xf32>,
        %add3A_467 = arith.constant 400 : i32
        %add3A_468 = arith.addi %add3A_467, %scan3A_416 : i32
        %get3A_469 = arith.index_cast %add3A_468 : i32 to index
        %get3A_470 = arith.constant 0 : index
        %get3A_471 = tpu.vector_load %arg7[%get3A_469, %get3A_470] {strides = array<i32>} : memref<3200x32xf32, #tpu.memory_space<vmem>>, vector<1x16xf32>,
        %get3A_472 = vector.shape_cast %get3A_471 : vector<1x16xf32> to vector<16xf32>
        %add3A_473 = arith.addf %get3A_472, %get3A_419 : vector<16xf32>
        %swap3A_474 = arith.index_cast %add3A_468 : i32 to index
        %swap3A_475 = arith.constant 0 : index
        %swap3A_476 = tpu.vector_load %arg7[%swap3A_474, %swap3A_475] {strides = array<i32>} : memref<3200x32xf32, #tpu.memory_space<vmem>>, vector<1x16xf32>,
        %swap3A_477 = vector.shape_cast %swap3A_476 : vector<1x16xf32> to vector<16xf32>
        %swap3A_478 = vector.shape_cast %add3A_473 : vector<16xf32> to vector<1x16xf32>
        tpu.vector_store %arg7[%swap3A_474, %swap3A_475], %swap3A_478 {strides = array<i32>} : memref<3200x32xf32, #tpu.memory_space<vmem>>, vector<1x16xf32>,
        %get3A_479 = arith.index_cast %add3A_468 : i32 to index
        %get3A_480 = arith.constant 16 : index
        %get3A_481 = tpu.vector_load %arg7[%get3A_479, %get3A_480] {strides = array<i32>} : memref<3200x32xf32, #tpu.memory_space<vmem>>, vector<1x16xf32>,
        %get3A_482 = vector.shape_cast %get3A_481 : vector<1x16xf32> to vector<16xf32>
        %add3A_483 = arith.addf %get3A_482, %get3A_423 : vector<16xf32>
        %swap3A_484 = arith.index_cast %add3A_468 : i32 to index
        %swap3A_485 = arith.constant 16 : index
        %swap3A_486 = tpu.vector_load %arg7[%swap3A_484, %swap3A_485] {strides = array<i32>} : memref<3200x32xf32, #tpu.memory_space<vmem>>, vector<1x16xf32>,
        %swap3A_487 = vector.shape_cast %swap3A_486 : vector<1x16xf32> to vector<16xf32>
        %swap3A_488 = vector.shape_cast %add3A_483 : vector<16xf32> to vector<1x16xf32>
        tpu.vector_store %arg7[%swap3A_484, %swap3A_485], %swap3A_488 {strides = array<i32>} : memref<3200x32xf32, #tpu.memory_space<vmem>>, vector<1x16xf32>,
        %add3A_489 = arith.constant 600 : i32
        %add3A_490 = arith.addi %add3A_489, %scan3A_416 : i32
        %get3A_491 = arith.index_cast %add3A_490 : i32 to index
        %get3A_492 = arith.constant 0 : index
        %get3A_493 = tpu.vector_load %arg7[%get3A_491, %get3A_492] {strides = array<i32>} : memref<3200x32xf32, #tpu.memory_space<vmem>>, vector<1x16xf32>,
        %get3A_494 = vector.shape_cast %get3A_493 : vector<1x16xf32> to vector<16xf32>
        %add3A_495 = arith.addf %get3A_494, %get3A_419 : vector<16xf32>
        %swap3A_496 = arith.index_cast %add3A_490 : i32 to index
        %swap3A_497 = arith.constant 0 : index
        %swap3A_498 = tpu.vector_load %arg7[%swap3A_496, %swap3A_497] {strides = array<i32>} : memref<3200x32xf32, #tpu.memory_space<vmem>>, vector<1x16xf32>,
        %swap3A_499 = vector.shape_cast %swap3A_498 : vector<1x16xf32> to vector<16xf32>
        %swap3A_500 = vector.shape_cast %add3A_495 : vector<16xf32> to vector<1x16xf32>
        tpu.vector_store %arg7[%swap3A_496, %swap3A_497], %swap3A_500 {strides = array<i32>} : memref<3200x32xf32, #tpu.memory_space<vmem>>, vector<1x16xf32>,
        %get3A_501 = arith.index_cast %add3A_490 : i32 to index
        %get3A_502 = arith.constant 16 : index
        %get3A_503 = tpu.vector_load %arg7[%get3A_501, %get3A_502] {strides = array<i32>} : memref<3200x32xf32, #tpu.memory_space<vmem>>, vector<1x16xf32>,
        %get3A_504 = vector.shape_cast %get3A_503 : vector<1x16xf32> to vector<16xf32>
        %add3A_505 = arith.addf %get3A_504, %get3A_423 : vector<16xf32>
        %swap3A_506 = arith.index_cast %add3A_490 : i32 to index
        %swap3A_507 = arith.constant 16 : index
        %swap3A_508 = tpu.vector_load %arg7[%swap3A_506, %swap3A_507] {strides = array<i32>} : memref<3200x32xf32, #tpu.memory_space<vmem>>, vector<1x16xf32>,
        %swap3A_509 = vector.shape_cast %swap3A_508 : vector<1x16xf32> to vector<16xf32>
        %swap3A_510 = vector.shape_cast %add3A_505 : vector<16xf32> to vector<1x16xf32>
        tpu.vector_store %arg7[%swap3A_506, %swap3A_507], %swap3A_510 {strides = array<i32>} : memref<3200x32xf32, #tpu.memory_space<vmem>>, vector<1x16xf32>,
        %add3A_511 = arith.constant 800 : i32
        %add3A_512 = arith.addi %add3A_511, %scan3A_416 : i32
        %get3A_513 = arith.index_cast %add3A_512 : i32 to index
        %get3A_514 = arith.constant 0 : index
        %get3A_515 = tpu.vector_load %arg7[%get3A_513, %get3A_514] {strides = array<i32>} : memref<3200x32xf32, #tpu.memory_space<vmem>>, vector<1x16xf32>,
        %get3A_516 = vector.shape_cast %get3A_515 : vector<1x16xf32> to vector<16xf32>
        %add3A_517 = arith.addf %get3A_516, %get3A_419 : vector<16xf32>
        %swap3A_518 = arith.index_cast %add3A_512 : i32 to index
        %swap3A_519 = arith.constant 0 : index
        %swap3A_520 = tpu.vector_load %arg7[%swap3A_518, %swap3A_519] {strides = array<i32>} : memref<3200x32xf32, #tpu.memory_space<vmem>>, vector<1x16xf32>,
        %swap3A_521 = vector.shape_cast %swap3A_520 : vector<1x16xf32> to vector<16xf32>
        %swap3A_522 = vector.shape_cast %add3A_517 : vector<16xf32> to vector<1x16xf32>
        tpu.vector_store %arg7[%swap3A_518, %swap3A_519], %swap3A_522 {strides = array<i32>} : memref<3200x32xf32, #tpu.memory_space<vmem>>, vector<1x16xf32>,
        %get3A_523 = arith.index_cast %add3A_512 : i32 to index
        %get3A_524 = arith.constant 16 : index
        %get3A_525 = tpu.vector_load %arg7[%get3A_523, %get3A_524] {strides = array<i32>} : memref<3200x32xf32, #tpu.memory_space<vmem>>, vector<1x16xf32>,
        %get3A_526 = vector.shape_cast %get3A_525 : vector<1x16xf32> to vector<16xf32>
        %add3A_527 = arith.addf %get3A_526, %get3A_423 : vector<16xf32>
        %swap3A_528 = arith.index_cast %add3A_512 : i32 to index
        %swap3A_529 = arith.constant 16 : index
        %swap3A_530 = tpu.vector_load %arg7[%swap3A_528, %swap3A_529] {strides = array<i32>} : memref<3200x32xf32, #tpu.memory_space<vmem>>, vector<1x16xf32>,
        %swap3A_531 = vector.shape_cast %swap3A_530 : vector<1x16xf32> to vector<16xf32>
        %swap3A_532 = vector.shape_cast %add3A_527 : vector<16xf32> to vector<1x16xf32>
        tpu.vector_store %arg7[%swap3A_528, %swap3A_529], %swap3A_532 {strides = array<i32>} : memref<3200x32xf32, #tpu.memory_space<vmem>>, vector<1x16xf32>,
        %add3A_533 = arith.constant 1000 : i32
        %add3A_534 = arith.addi %add3A_533, %scan3A_416 : i32
        %get3A_535 = arith.index_cast %add3A_534 : i32 to index
        %get3A_536 = arith.constant 0 : index
        %get3A_537 = tpu.vector_load %arg7[%get3A_535, %get3A_536] {strides = array<i32>} : memref<3200x32xf32, #tpu.memory_space<vmem>>, vector<1x16xf32>,
        %get3A_538 = vector.shape_cast %get3A_537 : vector<1x16xf32> to vector<16xf32>
        %add3A_539 = arith.addf %get3A_538, %get3A_419 : vector<16xf32>
        %swap3A_540 = arith.index_cast %add3A_534 : i32 to index
        %swap3A_541 = arith.constant 0 : index
        %swap3A_542 = tpu.vector_load %arg7[%swap3A_540, %swap3A_541] {strides = array<i32>} : memref<3200x32xf32, #tpu.memory_space<vmem>>, vector<1x16xf32>,
        %swap3A_543 = vector.shape_cast %swap3A_542 : vector<1x16xf32> to vector<16xf32>
        %swap3A_544 = vector.shape_cast %add3A_539 : vector<16xf32> to vector<1x16xf32>
        tpu.vector_store %arg7[%swap3A_540, %swap3A_541], %swap3A_544 {strides = array<i32>} : memref<3200x32xf32, #tpu.memory_space<vmem>>, vector<1x16xf32>,
        %get3A_545 = arith.index_cast %add3A_534 : i32 to index
        %get3A_546 = arith.constant 16 : index
        %get3A_547 = tpu.vector_load %arg7[%get3A_545, %get3A_546] {strides = array<i32>} : memref<3200x32xf32, #tpu.memory_space<vmem>>, vector<1x16xf32>,
        %get3A_548 = vector.shape_cast %get3A_547 : vector<1x16xf32> to vector<16xf32>
        %add3A_549 = arith.addf %get3A_548, %get3A_423 : vector<16xf32>
        %swap3A_550 = arith.index_cast %add3A_534 : i32 to index
        %swap3A_551 = arith.constant 16 : index
        %swap3A_552 = tpu.vector_load %arg7[%swap3A_550, %swap3A_551] {strides = array<i32>} : memref<3200x32xf32, #tpu.memory_space<vmem>>, vector<1x16xf32>,
        %swap3A_553 = vector.shape_cast %swap3A_552 : vector<1x16xf32> to vector<16xf32>
        %swap3A_554 = vector.shape_cast %add3A_549 : vector<16xf32> to vector<1x16xf32>
        tpu.vector_store %arg7[%swap3A_550, %swap3A_551], %swap3A_554 {strides = array<i32>} : memref<3200x32xf32, #tpu.memory_space<vmem>>, vector<1x16xf32>,
        %add3A_555 = arith.constant 1200 : i32
        %add3A_556 = arith.addi %add3A_555, %scan3A_416 : i32
        %get3A_557 = arith.index_cast %add3A_556 : i32 to index
        %get3A_558 = arith.constant 0 : index
        %get3A_559 = tpu.vector_load %arg7[%get3A_557, %get3A_558] {strides = array<i32>} : memref<3200x32xf32, #tpu.memory_space<vmem>>, vector<1x16xf32>,
        %get3A_560 = vector.shape_cast %get3A_559 : vector<1x16xf32> to vector<16xf32>
        %add3A_561 = arith.addf %get3A_560, %get3A_419 : vector<16xf32>
        %swap3A_562 = arith.index_cast %add3A_556 : i32 to index
        %swap3A_563 = arith.constant 0 : index
        %swap3A_564 = tpu.vector_load %arg7[%swap3A_562, %swap3A_563] {strides = array<i32>} : memref<3200x32xf32, #tpu.memory_space<vmem>>, vector<1x16xf32>,
        %swap3A_565 = vector.shape_cast %swap3A_564 : vector<1x16xf32> to vector<16xf32>
        %swap3A_566 = vector.shape_cast %add3A_561 : vector<16xf32> to vector<1x16xf32>
        tpu.vector_store %arg7[%swap3A_562, %swap3A_563], %swap3A_566 {strides = array<i32>} : memref<3200x32xf32, #tpu.memory_space<vmem>>, vector<1x16xf32>,
        %get3A_567 = arith.index_cast %add3A_556 : i32 to index
        %get3A_568 = arith.constant 16 : index
        %get3A_569 = tpu.vector_load %arg7[%get3A_567, %get3A_568] {strides = array<i32>} : memref<3200x32xf32, #tpu.memory_space<vmem>>, vector<1x16xf32>,
        %get3A_570 = vector.shape_cast %get3A_569 : vector<1x16xf32> to vector<16xf32>
        %add3A_571 = arith.addf %get3A_570, %get3A_423 : vector<16xf32>
        %swap3A_572 = arith.index_cast %add3A_556 : i32 to index
        %swap3A_573 = arith.constant 16 : index
        %swap3A_574 = tpu.vector_load %arg7[%swap3A_572, %swap3A_573] {strides = array<i32>} : memref<3200x32xf32, #tpu.memory_space<vmem>>, vector<1x16xf32>,
        %swap3A_575 = vector.shape_cast %swap3A_574 : vector<1x16xf32> to vector<16xf32>
        %swap3A_576 = vector.shape_cast %add3A_571 : vector<16xf32> to vector<1x16xf32>
        tpu.vector_store %arg7[%swap3A_572, %swap3A_573], %swap3A_576 {strides = array<i32>} : memref<3200x32xf32, #tpu.memory_space<vmem>>, vector<1x16xf32>,
        %add3A_577 = arith.constant 1400 : i32
        %add3A_578 = arith.addi %add3A_577, %scan3A_416 : i32
        %get3A_579 = arith.index_cast %add3A_578 : i32 to index
        %get3A_580 = arith.constant 0 : index
        %get3A_581 = tpu.vector_load %arg7[%get3A_579, %get3A_580] {strides = array<i32>} : memref<3200x32xf32, #tpu.memory_space<vmem>>, vector<1x16xf32>,
        %get3A_582 = vector.shape_cast %get3A_581 : vector<1x16xf32> to vector<16xf32>
        %add3A_583 = arith.addf %get3A_582, %get3A_419 : vector<16xf32>
        %swap3A_584 = arith.index_cast %add3A_578 : i32 to index
        %swap3A_585 = arith.constant 0 : index
        %swap3A_586 = tpu.vector_load %arg7[%swap3A_584, %swap3A_585] {strides = array<i32>} : memref<3200x32xf32, #tpu.memory_space<vmem>>, vector<1x16xf32>,
        %swap3A_587 = vector.shape_cast %swap3A_586 : vector<1x16xf32> to vector<16xf32>
        %swap3A_588 = vector.shape_cast %add3A_583 : vector<16xf32> to vector<1x16xf32>
        tpu.vector_store %arg7[%swap3A_584, %swap3A_585], %swap3A_588 {strides = array<i32>} : memref<3200x32xf32, #tpu.memory_space<vmem>>, vector<1x16xf32>,
        %get3A_589 = arith.index_cast %add3A_578 : i32 to index
        %get3A_590 = arith.constant 16 : index
        %get3A_591 = tpu.vector_load %arg7[%get3A_589, %get3A_590] {strides = array<i32>} : memref<3200x32xf32, #tpu.memory_space<vmem>>, vector<1x16xf32>,
        %get3A_592 = vector.shape_cast %get3A_591 : vector<1x16xf32> to vector<16xf32>
        %add3A_593 = arith.addf %get3A_592, %get3A_423 : vector<16xf32>
        %swap3A_594 = arith.index_cast %add3A_578 : i32 to index
        %swap3A_595 = arith.constant 16 : index
        %swap3A_596 = tpu.vector_load %arg7[%swap3A_594, %swap3A_595] {strides = array<i32>} : memref<3200x32xf32, #tpu.memory_space<vmem>>, vector<1x16xf32>,
        %swap3A_597 = vector.shape_cast %swap3A_596 : vector<1x16xf32> to vector<16xf32>
        %swap3A_598 = vector.shape_cast %add3A_593 : vector<16xf32> to vector<1x16xf32>
        tpu.vector_store %arg7[%swap3A_594, %swap3A_595], %swap3A_598 {strides = array<i32>} : memref<3200x32xf32, #tpu.memory_space<vmem>>, vector<1x16xf32>,
        %add3A_599 = arith.constant 1600 : i32
        %add3A_600 = arith.addi %add3A_599, %scan3A_416 : i32
        %get3A_601 = arith.index_cast %add3A_600 : i32 to index
        %get3A_602 = arith.constant 0 : index
        %get3A_603 = tpu.vector_load %arg7[%get3A_601, %get3A_602] {strides = array<i32>} : memref<3200x32xf32, #tpu.memory_space<vmem>>, vector<1x16xf32>,
        %get3A_604 = vector.shape_cast %get3A_603 : vector<1x16xf32> to vector<16xf32>
        %add3A_605 = arith.addf %get3A_604, %get3A_419 : vector<16xf32>
        %swap3A_606 = arith.index_cast %add3A_600 : i32 to index
        %swap3A_607 = arith.constant 0 : index
        %swap3A_608 = tpu.vector_load %arg7[%swap3A_606, %swap3A_607] {strides = array<i32>} : memref<3200x32xf32, #tpu.memory_space<vmem>>, vector<1x16xf32>,
        %swap3A_609 = vector.shape_cast %swap3A_608 : vector<1x16xf32> to vector<16xf32>
        %swap3A_610 = vector.shape_cast %add3A_605 : vector<16xf32> to vector<1x16xf32>
        tpu.vector_store %arg7[%swap3A_606, %swap3A_607], %swap3A_610 {strides = array<i32>} : memref<3200x32xf32, #tpu.memory_space<vmem>>, vector<1x16xf32>,
        %get3A_611 = arith.index_cast %add3A_600 : i32 to index
        %get3A_612 = arith.constant 16 : index
        %get3A_613 = tpu.vector_load %arg7[%get3A_611, %get3A_612] {strides = array<i32>} : memref<3200x32xf32, #tpu.memory_space<vmem>>, vector<1x16xf32>,
        %get3A_614 = vector.shape_cast %get3A_613 : vector<1x16xf32> to vector<16xf32>
        %add3A_615 = arith.addf %get3A_614, %get3A_423 : vector<16xf32>
        %swap3A_616 = arith.index_cast %add3A_600 : i32 to index
        %swap3A_617 = arith.constant 16 : index
        %swap3A_618 = tpu.vector_load %arg7[%swap3A_616, %swap3A_617] {strides = array<i32>} : memref<3200x32xf32, #tpu.memory_space<vmem>>, vector<1x16xf32>,
        %swap3A_619 = vector.shape_cast %swap3A_618 : vector<1x16xf32> to vector<16xf32>
        %swap3A_620 = vector.shape_cast %add3A_615 : vector<16xf32> to vector<1x16xf32>
        tpu.vector_store %arg7[%swap3A_616, %swap3A_617], %swap3A_620 {strides = array<i32>} : memref<3200x32xf32, #tpu.memory_space<vmem>>, vector<1x16xf32>,
        %add3A_621 = arith.constant 1800 : i32
        %add3A_622 = arith.addi %add3A_621, %scan3A_416 : i32
        %get3A_623 = arith.index_cast %add3A_622 : i32 to index
        %get3A_624 = arith.constant 0 : index
        %get3A_625 = tpu.vector_load %arg7[%get3A_623, %get3A_624] {strides = array<i32>} : memref<3200x32xf32, #tpu.memory_space<vmem>>, vector<1x16xf32>,
        %get3A_626 = vector.shape_cast %get3A_625 : vector<1x16xf32> to vector<16xf32>
        %add3A_627 = arith.addf %get3A_626, %get3A_419 : vector<16xf32>
        %swap3A_628 = arith.index_cast %add3A_622 : i32 to index
        %swap3A_629 = arith.constant 0 : index
        %swap3A_630 = tpu.vector_load %arg7[%swap3A_628, %swap3A_629] {strides = array<i32>} : memref<3200x32xf32, #tpu.memory_space<vmem>>, vector<1x16xf32>,
        %swap3A_631 = vector.shape_cast %swap3A_630 : vector<1x16xf32> to vector<16xf32>
        %swap3A_632 = vector.shape_cast %add3A_627 : vector<16xf32> to vector<1x16xf32>
        tpu.vector_store %arg7[%swap3A_628, %swap3A_629], %swap3A_632 {strides = array<i32>} : memref<3200x32xf32, #tpu.memory_space<vmem>>, vector<1x16xf32>,
        %get3A_633 = arith.index_cast %add3A_622 : i32 to index
        %get3A_634 = arith.constant 16 : index
        %get3A_635 = tpu.vector_load %arg7[%get3A_633, %get3A_634] {strides = array<i32>} : memref<3200x32xf32, #tpu.memory_space<vmem>>, vector<1x16xf32>,
        %get3A_636 = vector.shape_cast %get3A_635 : vector<1x16xf32> to vector<16xf32>
        %add3A_637 = arith.addf %get3A_636, %get3A_423 : vector<16xf32>
        %swap3A_638 = arith.index_cast %add3A_622 : i32 to index
        %swap3A_639 = arith.constant 16 : index
        %swap3A_640 = tpu.vector_load %arg7[%swap3A_638, %swap3A_639] {strides = array<i32>} : memref<3200x32xf32, #tpu.memory_space<vmem>>, vector<1x16xf32>,
        %swap3A_641 = vector.shape_cast %swap3A_640 : vector<1x16xf32> to vector<16xf32>
        %swap3A_642 = vector.shape_cast %add3A_637 : vector<16xf32> to vector<1x16xf32>
        tpu.vector_store %arg7[%swap3A_638, %swap3A_639], %swap3A_642 {strides = array<i32>} : memref<3200x32xf32, #tpu.memory_space<vmem>>, vector<1x16xf32>,
        %add3A_643 = arith.constant 2000 : i32
        %add3A_644 = arith.addi %add3A_643, %scan3A_416 : i32
        %get3A_645 = arith.index_cast %add3A_644 : i32 to index
        %get3A_646 = arith.constant 0 : index
        %get3A_647 = tpu.vector_load %arg7[%get3A_645, %get3A_646] {strides = array<i32>} : memref<3200x32xf32, #tpu.memory_space<vmem>>, vector<1x16xf32>,
        %get3A_648 = vector.shape_cast %get3A_647 : vector<1x16xf32> to vector<16xf32>
        %add3A_649 = arith.addf %get3A_648, %get3A_419 : vector<16xf32>
        %swap3A_650 = arith.index_cast %add3A_644 : i32 to index
        %swap3A_651 = arith.constant 0 : index
        %swap3A_652 = tpu.vector_load %arg7[%swap3A_650, %swap3A_651] {strides = array<i32>} : memref<3200x32xf32, #tpu.memory_space<vmem>>, vector<1x16xf32>,
        %swap3A_653 = vector.shape_cast %swap3A_652 : vector<1x16xf32> to vector<16xf32>
        %swap3A_654 = vector.shape_cast %add3A_649 : vector<16xf32> to vector<1x16xf32>
        tpu.vector_store %arg7[%swap3A_650, %swap3A_651], %swap3A_654 {strides = array<i32>} : memref<3200x32xf32, #tpu.memory_space<vmem>>, vector<1x16xf32>,
        %get3A_655 = arith.index_cast %add3A_644 : i32 to index
        %get3A_656 = arith.constant 16 : index
        %get3A_657 = tpu.vector_load %arg7[%get3A_655, %get3A_656] {strides = array<i32>} : memref<3200x32xf32, #tpu.memory_space<vmem>>, vector<1x16xf32>,
        %get3A_658 = vector.shape_cast %get3A_657 : vector<1x16xf32> to vector<16xf32>
        %add3A_659 = arith.addf %get3A_658, %get3A_423 : vector<16xf32>
        %swap3A_660 = arith.index_cast %add3A_644 : i32 to index
        %swap3A_661 = arith.constant 16 : index
        %swap3A_662 = tpu.vector_load %arg7[%swap3A_660, %swap3A_661] {strides = array<i32>} : memref<3200x32xf32, #tpu.memory_space<vmem>>, vector<1x16xf32>,
        %swap3A_663 = vector.shape_cast %swap3A_662 : vector<1x16xf32> to vector<16xf32>
        %swap3A_664 = vector.shape_cast %add3A_659 : vector<16xf32> to vector<1x16xf32>
        tpu.vector_store %arg7[%swap3A_660, %swap3A_661], %swap3A_664 {strides = array<i32>} : memref<3200x32xf32, #tpu.memory_space<vmem>>, vector<1x16xf32>,
        %add3A_665 = arith.constant 2200 : i32
        %add3A_666 = arith.addi %add3A_665, %scan3A_416 : i32
        %get3A_667 = arith.index_cast %add3A_666 : i32 to index
        %get3A_668 = arith.constant 0 : index
        %get3A_669 = tpu.vector_load %arg7[%get3A_667, %get3A_668] {strides = array<i32>} : memref<3200x32xf32, #tpu.memory_space<vmem>>, vector<1x16xf32>,
        %get3A_670 = vector.shape_cast %get3A_669 : vector<1x16xf32> to vector<16xf32>
        %add3A_671 = arith.addf %get3A_670, %get3A_419 : vector<16xf32>
        %swap3A_672 = arith.index_cast %add3A_666 : i32 to index
        %swap3A_673 = arith.constant 0 : index
        %swap3A_674 = tpu.vector_load %arg7[%swap3A_672, %swap3A_673] {strides = array<i32>} : memref<3200x32xf32, #tpu.memory_space<vmem>>, vector<1x16xf32>,
        %swap3A_675 = vector.shape_cast %swap3A_674 : vector<1x16xf32> to vector<16xf32>
        %swap3A_676 = vector.shape_cast %add3A_671 : vector<16xf32> to vector<1x16xf32>
        tpu.vector_store %arg7[%swap3A_672, %swap3A_673], %swap3A_676 {strides = array<i32>} : memref<3200x32xf32, #tpu.memory_space<vmem>>, vector<1x16xf32>,
        %get3A_677 = arith.index_cast %add3A_666 : i32 to index
        %get3A_678 = arith.constant 16 : index
        %get3A_679 = tpu.vector_load %arg7[%get3A_677, %get3A_678] {strides = array<i32>} : memref<3200x32xf32, #tpu.memory_space<vmem>>, vector<1x16xf32>,
        %get3A_680 = vector.shape_cast %get3A_679 : vector<1x16xf32> to vector<16xf32>
        %add3A_681 = arith.addf %get3A_680, %get3A_423 : vector<16xf32>
        %swap3A_682 = arith.index_cast %add3A_666 : i32 to index
        %swap3A_683 = arith.constant 16 : index
        %swap3A_684 = tpu.vector_load %arg7[%swap3A_682, %swap3A_683] {strides = array<i32>} : memref<3200x32xf32, #tpu.memory_space<vmem>>, vector<1x16xf32>,
        %swap3A_685 = vector.shape_cast %swap3A_684 : vector<1x16xf32> to vector<16xf32>
        %swap3A_686 = vector.shape_cast %add3A_681 : vector<16xf32> to vector<1x16xf32>
        tpu.vector_store %arg7[%swap3A_682, %swap3A_683], %swap3A_686 {strides = array<i32>} : memref<3200x32xf32, #tpu.memory_space<vmem>>, vector<1x16xf32>,
        %add3A_687 = arith.constant 2400 : i32
        %add3A_688 = arith.addi %add3A_687, %scan3A_416 : i32
        %get3A_689 = arith.index_cast %add3A_688 : i32 to index
        %get3A_690 = arith.constant 0 : index
        %get3A_691 = tpu.vector_load %arg7[%get3A_689, %get3A_690] {strides = array<i32>} : memref<3200x32xf32, #tpu.memory_space<vmem>>, vector<1x16xf32>,
        %get3A_692 = vector.shape_cast %get3A_691 : vector<1x16xf32> to vector<16xf32>
        %add3A_693 = arith.addf %get3A_692, %get3A_419 : vector<16xf32>
        %swap3A_694 = arith.index_cast %add3A_688 : i32 to index
        %swap3A_695 = arith.constant 0 : index
        %swap3A_696 = tpu.vector_load %arg7[%swap3A_694, %swap3A_695] {strides = array<i32>} : memref<3200x32xf32, #tpu.memory_space<vmem>>, vector<1x16xf32>,
        %swap3A_697 = vector.shape_cast %swap3A_696 : vector<1x16xf32> to vector<16xf32>
        %swap3A_698 = vector.shape_cast %add3A_693 : vector<16xf32> to vector<1x16xf32>
        tpu.vector_store %arg7[%swap3A_694, %swap3A_695], %swap3A_698 {strides = array<i32>} : memref<3200x32xf32, #tpu.memory_space<vmem>>, vector<1x16xf32>,
        %get3A_699 = arith.index_cast %add3A_688 : i32 to index
        %get3A_700 = arith.constant 16 : index
        %get3A_701 = tpu.vector_load %arg7[%get3A_699, %get3A_700] {strides = array<i32>} : memref<3200x32xf32, #tpu.memory_space<vmem>>, vector<1x16xf32>,
        %get3A_702 = vector.shape_cast %get3A_701 : vector<1x16xf32> to vector<16xf32>
        %add3A_703 = arith.addf %get3A_702, %get3A_423 : vector<16xf32>
        %swap3A_704 = arith.index_cast %add3A_688 : i32 to index
        %swap3A_705 = arith.constant 16 : index
        %swap3A_706 = tpu.vector_load %arg7[%swap3A_704, %swap3A_705] {strides = array<i32>} : memref<3200x32xf32, #tpu.memory_space<vmem>>, vector<1x16xf32>,
        %swap3A_707 = vector.shape_cast %swap3A_706 : vector<1x16xf32> to vector<16xf32>
        %swap3A_708 = vector.shape_cast %add3A_703 : vector<16xf32> to vector<1x16xf32>
        tpu.vector_store %arg7[%swap3A_704, %swap3A_705], %swap3A_708 {strides = array<i32>} : memref<3200x32xf32, #tpu.memory_space<vmem>>, vector<1x16xf32>,
        %add3A_709 = arith.constant 2600 : i32
        %add3A_710 = arith.addi %add3A_709, %scan3A_416 : i32
        %get3A_711 = arith.index_cast %add3A_710 : i32 to index
        %get3A_712 = arith.constant 0 : index
        %get3A_713 = tpu.vector_load %arg7[%get3A_711, %get3A_712] {strides = array<i32>} : memref<3200x32xf32, #tpu.memory_space<vmem>>, vector<1x16xf32>,
        %get3A_714 = vector.shape_cast %get3A_713 : vector<1x16xf32> to vector<16xf32>
        %add3A_715 = arith.addf %get3A_714, %get3A_419 : vector<16xf32>
        %swap3A_716 = arith.index_cast %add3A_710 : i32 to index
        %swap3A_717 = arith.constant 0 : index
        %swap3A_718 = tpu.vector_load %arg7[%swap3A_716, %swap3A_717] {strides = array<i32>} : memref<3200x32xf32, #tpu.memory_space<vmem>>, vector<1x16xf32>,
        %swap3A_719 = vector.shape_cast %swap3A_718 : vector<1x16xf32> to vector<16xf32>
        %swap3A_720 = vector.shape_cast %add3A_715 : vector<16xf32> to vector<1x16xf32>
        tpu.vector_store %arg7[%swap3A_716, %swap3A_717], %swap3A_720 {strides = array<i32>} : memref<3200x32xf32, #tpu.memory_space<vmem>>, vector<1x16xf32>,
        %get3A_721 = arith.index_cast %add3A_710 : i32 to index
        %get3A_722 = arith.constant 16 : index
        %get3A_723 = tpu.vector_load %arg7[%get3A_721, %get3A_722] {strides = array<i32>} : memref<3200x32xf32, #tpu.memory_space<vmem>>, vector<1x16xf32>,
        %get3A_724 = vector.shape_cast %get3A_723 : vector<1x16xf32> to vector<16xf32>
        %add3A_725 = arith.addf %get3A_724, %get3A_423 : vector<16xf32>
        %swap3A_726 = arith.index_cast %add3A_710 : i32 to index
        %swap3A_727 = arith.constant 16 : index
        %swap3A_728 = tpu.vector_load %arg7[%swap3A_726, %swap3A_727] {strides = array<i32>} : memref<3200x32xf32, #tpu.memory_space<vmem>>, vector<1x16xf32>,
        %swap3A_729 = vector.shape_cast %swap3A_728 : vector<1x16xf32> to vector<16xf32>
        %swap3A_730 = vector.shape_cast %add3A_725 : vector<16xf32> to vector<1x16xf32>
        tpu.vector_store %arg7[%swap3A_726, %swap3A_727], %swap3A_730 {strides = array<i32>} : memref<3200x32xf32, #tpu.memory_space<vmem>>, vector<1x16xf32>,
        %add3A_731 = arith.constant 2800 : i32
        %add3A_732 = arith.addi %add3A_731, %scan3A_416 : i32
        %get3A_733 = arith.index_cast %add3A_732 : i32 to index
        %get3A_734 = arith.constant 0 : index
        %get3A_735 = tpu.vector_load %arg7[%get3A_733, %get3A_734] {strides = array<i32>} : memref<3200x32xf32, #tpu.memory_space<vmem>>, vector<1x16xf32>,
        %get3A_736 = vector.shape_cast %get3A_735 : vector<1x16xf32> to vector<16xf32>
        %add3A_737 = arith.addf %get3A_736, %get3A_419 : vector<16xf32>
        %swap3A_738 = arith.index_cast %add3A_732 : i32 to index
        %swap3A_739 = arith.constant 0 : index
        %swap3A_740 = tpu.vector_load %arg7[%swap3A_738, %swap3A_739] {strides = array<i32>} : memref<3200x32xf32, #tpu.memory_space<vmem>>, vector<1x16xf32>,
        %swap3A_741 = vector.shape_cast %swap3A_740 : vector<1x16xf32> to vector<16xf32>
        %swap3A_742 = vector.shape_cast %add3A_737 : vector<16xf32> to vector<1x16xf32>
        tpu.vector_store %arg7[%swap3A_738, %swap3A_739], %swap3A_742 {strides = array<i32>} : memref<3200x32xf32, #tpu.memory_space<vmem>>, vector<1x16xf32>,
        %get3A_743 = arith.index_cast %add3A_732 : i32 to index
        %get3A_744 = arith.constant 16 : index
        %get3A_745 = tpu.vector_load %arg7[%get3A_743, %get3A_744] {strides = array<i32>} : memref<3200x32xf32, #tpu.memory_space<vmem>>, vector<1x16xf32>,
        %get3A_746 = vector.shape_cast %get3A_745 : vector<1x16xf32> to vector<16xf32>
        %add3A_747 = arith.addf %get3A_746, %get3A_423 : vector<16xf32>
        %swap3A_748 = arith.index_cast %add3A_732 : i32 to index
        %swap3A_749 = arith.constant 16 : index
        %swap3A_750 = tpu.vector_load %arg7[%swap3A_748, %swap3A_749] {strides = array<i32>} : memref<3200x32xf32, #tpu.memory_space<vmem>>, vector<1x16xf32>,
        %swap3A_751 = vector.shape_cast %swap3A_750 : vector<1x16xf32> to vector<16xf32>
        %swap3A_752 = vector.shape_cast %add3A_747 : vector<16xf32> to vector<1x16xf32>
        tpu.vector_store %arg7[%swap3A_748, %swap3A_749], %swap3A_752 {strides = array<i32>} : memref<3200x32xf32, #tpu.memory_space<vmem>>, vector<1x16xf32>,
        %add3A_753 = arith.constant 3000 : i32
        %add3A_754 = arith.addi %add3A_753, %scan3A_416 : i32
        %get3A_755 = arith.index_cast %add3A_754 : i32 to index
        %get3A_756 = arith.constant 0 : index
        %get3A_757 = tpu.vector_load %arg7[%get3A_755, %get3A_756] {strides = array<i32>} : memref<3200x32xf32, #tpu.memory_space<vmem>>, vector<1x16xf32>,
        %get3A_758 = vector.shape_cast %get3A_757 : vector<1x16xf32> to vector<16xf32>
        %add3A_759 = arith.addf %get3A_758, %get3A_419 : vector<16xf32>
        %swap3A_760 = arith.index_cast %add3A_754 : i32 to index
        %swap3A_761 = arith.constant 0 : index
        %swap3A_762 = tpu.vector_load %arg7[%swap3A_760, %swap3A_761] {strides = array<i32>} : memref<3200x32xf32, #tpu.memory_space<vmem>>, vector<1x16xf32>,
        %swap3A_763 = vector.shape_cast %swap3A_762 : vector<1x16xf32> to vector<16xf32>
        %swap3A_764 = vector.shape_cast %add3A_759 : vector<16xf32> to vector<1x16xf32>
        tpu.vector_store %arg7[%swap3A_760, %swap3A_761], %swap3A_764 {strides = array<i32>} : memref<3200x32xf32, #tpu.memory_space<vmem>>, vector<1x16xf32>,
        %get3A_765 = arith.index_cast %add3A_754 : i32 to index
        %get3A_766 = arith.constant 16 : index
        %get3A_767 = tpu.vector_load %arg7[%get3A_765, %get3A_766] {strides = array<i32>} : memref<3200x32xf32, #tpu.memory_space<vmem>>, vector<1x16xf32>,
        %get3A_768 = vector.shape_cast %get3A_767 : vector<1x16xf32> to vector<16xf32>
        %add3A_769 = arith.addf %get3A_768, %get3A_423 : vector<16xf32>
        %swap3A_770 = arith.index_cast %add3A_754 : i32 to index
        %swap3A_771 = arith.constant 16 : index
        %swap3A_772 = tpu.vector_load %arg7[%swap3A_770, %swap3A_771] {strides = array<i32>} : memref<3200x32xf32, #tpu.memory_space<vmem>>, vector<1x16xf32>,
        %swap3A_773 = vector.shape_cast %swap3A_772 : vector<1x16xf32> to vector<16xf32>
        %swap3A_774 = vector.shape_cast %add3A_769 : vector<16xf32> to vector<1x16xf32>
        tpu.vector_store %arg7[%swap3A_770, %swap3A_771], %swap3A_774 {strides = array<i32>} : memref<3200x32xf32, #tpu.memory_space<vmem>>, vector<1x16xf32>,
      }
      %scan3A_415 = arith.constant 200 : i32
      "tpu.region"() ({
        %run_scoped3A = tpu.sem_alloc : memref<!tpu.dma_semaphore, #tpu.memory_space<semaphore_mem>>
        %dma_start3A_416 = arith.constant 0 : i32
        %dma_start3A_417 = tpu.memref_slice %arg5[%add3A_11, %dma_start3A_416] : memref<819200x32xf32, #tpu.memory_space<hbm>> -> memref<3200x32xf32, #tpu.memory_space<hbm>>
        %dma_start3A_418 = arith.constant 0 : i32
        %dma_start3A_419 = tpu.memref_slice %arg5[%add3A_11, %dma_start3A_418] : memref<819200x32xf32, #tpu.memory_space<hbm>> -> memref<3200x32xf32, #tpu.memory_space<hbm>>
        tpu.enqueue_dma source(%arg7 : memref<3200x32xf32, #tpu.memory_space<vmem>>) target(%dma_start3A_419 : memref<3200x32xf32, #tpu.memory_space<hbm>>) target_semaphore(%run_scoped3A : memref<!tpu.dma_semaphore, #tpu.memory_space<semaphore_mem>>)
        %dma_wait3A_420 = arith.constant 0 : i32
        %dma_wait3A_421 = tpu.memref_slice %arg5[%add3A_11, %dma_wait3A_420] : memref<819200x32xf32, #tpu.memory_space<hbm>> -> memref<3200x32xf32, #tpu.memory_space<hbm>>
        %dma_wait3A_422 = arith.constant 0 : i32
        %dma_wait3A_423 = tpu.memref_slice %arg5[%add3A_11, %dma_wait3A_422] : memref<819200x32xf32, #tpu.memory_space<hbm>> -> memref<3200x32xf32, #tpu.memory_space<hbm>>
        tpu.wait_dma2 semaphore(%run_scoped3A : memref<!tpu.dma_semaphore, #tpu.memory_space<semaphore_mem>>) src(%arg7 : memref<3200x32xf32, #tpu.memory_space<vmem>>) dst(%dma_wait3A_423 : memref<3200x32xf32, #tpu.memory_space<hbm>>)
        tpu.yield
      }) : () -> ()
    }
    %scan3A_7 = arith.constant 8 : i32
    return
  }
}

</mosaic_0001>

<sc_bundles>
// kernel: kernel.3.cloned.1.call-start
scs
__scs_entry_jumppad:
0x0: {  	(pc) =	sbr.rel $0x88, $3  }
0x1: {  	(tag) =	ssettag $0x0;
	lr =	simm.s32 $0x1  }
0x2: {  	[smem:$0x3F9E] =	sst lr;
	_ =	strace $0xD0000000  }
0x3: {  	_ = 	snop  }
0x4: {  	_ = 	snop  }
0x5: {  	_ = 	snop  }
0x6: {  	_ = 	snop  }
0x7: {  	_ = 	snop  }
__scs_overlays_trampoline_lowered:
0x8: {  	[smem:$0x3FAD] =	sst s0  }
0x9: {  	[smem:$0x3FAE] =	sst s1  }
0xa: {  	[smem:$0x3FAF] =	sst s2  }
0xb: {  	[smem:$0x3FB0] =	sst s3  }
0xc: {  	[smem:$0x3FB1] =	sst s4  }
0xd: {  	[smem:$0x3FB2] =	sst s5  }
0xe: {  	[smem:$0x3FB3] =	sst s6  }
0xf: {  	[smem:$0x3FB4] =	sst s7  }
0x10: {  	[smem:$0x3FB5] =	sst s8  }
0x11: {  	[smem:$0x3FB6] =	sst s9;
	s0 =	simm.s32 @!p0 $0x0  }
0x12: {  	s1 =	sld [smem:$0x3F9C];
	s0 =	simm.s32 @p0 $0x1  }
0x13: {  	[smem:$0x3FB7] =	sst s0;
	s0 =	simm.s32 @!p1 $0x0  }
0x14: {  	s2 =	sld [smem:$0x3F9B];
	s0 =	simm.s32 @p1 $0x1  }
0x15: {  	[smem:$0x3FB8] =	sst s0;
	s0 =	simm.s32 @!p2 $0x0  }
0x16: {  	s3 =	sld [smem:$0x3FDB];
	s0 =	simm.s32 @p2 $0x1  }
0x17: {  	s4 =	simm.s32 $0x1BF5;
	[smem:$0x3FBA] =	sst s0  }
0x18: {  	s0 =	sld [smem:$0x3F9D];
	_ =	swait.ge [sflag:s4], $0x0  }
0x19: {  	s7 =	sld [smem:$0x3F9E]  }
0x1a: {  	s8 =	sadd.s32 $0xFFFFE003, lr  }
0x1b: {  	s9 =	sadd.s32 $0xFFFFFEF7, lr;
	s5 =	simm.s32 $0xFFFFFFFF;
	p2 =	slt.u32 s8, $0xFFFFF086  }
0x1c: {  	p1 =	slt.u32 s9, $0xF7A;
	s5 =	simm.s32 @!p2 $0x0  }
0x1d: {  	s5 =	simm.s32 @p1 $0x1;
	p0 =	seq.s32 s7, s2  }
0x1e: {  	s7 =	smul.u32 @!p0 $0xF7A, s2;
	p2 =	seq.s32 @!p0 s5, $0x0  }
0x1f: {  	s9 =	smul.u32 $0xF7A, s1;
	s8 =	simm.s32 @!p0 $0x1BF5;
	p2 =	por !p2, p0  }
0x20: {  	[sflag:s8] =	ssyncset.s32 @!p0 $0xFFFFF086;
	s6 =	sadd.s32 @!p0 s3, s7;
	s7 =	simm.s32 @!p0 $0x108  }
0x21: {  	s3 =	sadd.s32 s3, s9;
	s6 =	sadd.s32 @!p0 $0x88, s6;
	s7 =	simm.s32 @p2 $0x1082  }
0x22: {  	[simem:s7], [sflag:s8] =	dma.local @!p0 [hbm:s6], $0xF7A  }
0x23: {  	s9 =	sor.u32 $0xD0000000, s2;
	s6 =	simm.s32 $0x108;
	_ =	swait.ge @!p0 [sflag:s8], $0x0  }
0x24: {  	s3 =	sadd.s32 $0x88, s3;
	s6 =	simm.s32 @!p1 $0x1082;
	[sflag:s4] =	ssyncset.s32 $0xFFFFF086  }
0x25: {  	[simem:s6], [sflag:s4] =	dma.local [hbm:s3], $0xF7A  }
0x26: {  	[smem:$0x3F9E] =	sst s1;
	(tag) =	ssettag s2;
	_ =	strace s9  }
0x27: {  	s1 =	sld [smem:$0x3FAE]  }
0x28: {  	s2 =	sld [smem:$0x3FAF]  }
0x29: {  	s4 =	sld [smem:$0x3FB1]  }
0x2a: {  	p0 =	seq.s32 s5, $0x0;
	s5 =	sld [smem:$0x3FB2]  }
0x2b: {  	s6 =	sld [smem:$0x3FB3]  }
0x2c: {  	s7 =	sld [smem:$0x3FB4]  }
0x2d: {  	s3 =	simm.s32 $0x108;
	s8 =	sld [smem:$0x3FB5]  }
0x2e: {  	s3 =	simm.s32 @!p0 $0x1082;
	s9 =	sld [smem:$0x3FB6]  }
0x2f: {  	lr =	sadd.s32 s0, s3;
	s0 =	sld [smem:$0x3FAD]  }
0x30: {  	s3 =	sld [smem:$0x3FB0]  }
0x31: {  	[smem:$0x3FB9] =	sst s10  }
0x32: {  	s10 =	sld [smem:$0x3FB7];
	_ =	sdelay $0x3  }
0x33: {  	p0 =	seq.s32 s10, $0x1;
	s10 =	sld [smem:$0x3FB9];
	_ =	sdelay $0x3  }
0x34: {  	[smem:$0x3FB9] =	sst s10  }
0x35: {  	s10 =	sld [smem:$0x3FB8];
	_ =	sdelay $0x3  }
0x36: {  	p1 =	seq.s32 s10, $0x1;
	s10 =	sld [smem:$0x3FB9];
	_ =	sdelay $0x3  }
0x37: {  	[smem:$0x3FB9] =	sst s10  }
0x38: {  	s10 =	sld [smem:$0x3FBA]  }
0x39: {  	_ = 	snop;
	(pc) =	sbr.ind lr, $3  }
0x3a: {  	_ = 	snop  }
0x3b: {  	_ = 	snop  }
0x3c: {  	p2 =	seq.s32 s10, $0x1;
	s10 =	sld [smem:$0x3FB9]  }
0x3d: {  	_ =	shalt  }
0x3e: {  	_ =	shalt  }
0x3f: {  	_ =	shalt  }
0x40: {  	_ =	shalt  }
0x41: {  	_ =	shalt  }
0x42: {  	_ =	shalt  }
0x43: {  	_ =	shalt  }
0x44: {  	_ =	shalt  }
0x45: {  	_ =	shalt  }
0x46: {  	_ =	shalt  }
0x47: {  	_ =	shalt  }
0x48: {  	_ =	shalt  }
0x49: {  	_ =	shalt  }
0x4a: {  	_ =	shalt  }
0x4b: {  	_ =	shalt  }
0x4c: {  	_ =	shalt  }
0x4d: {  	_ =	shalt  }
0x4e: {  	_ =	shalt  }
0x4f: {  	_ =	shalt  }
0x50: {  	_ =	shalt  }
0x51: {  	_ =	shalt  }
0x52: {  	_ =	shalt  }
0x53: {  	_ =	shalt  }
0x54: {  	_ =	shalt  }
0x55: {  	_ =	shalt  }
0x56: {  	_ =	shalt  }
0x57: {  	_ =	shalt  }
0x58: {  	_ =	shalt  }
0x59: {  	_ =	shalt  }
0x5a: {  	_ =	shalt  }
0x5b: {  	_ =	shalt  }
0x5c: {  	_ =	shalt  }
0x5d: {  	_ =	shalt  }
0x5e: {  	_ =	shalt  }
0x5f: {  	_ =	shalt  }
0x60: {  	_ =	shalt  }
0x61: {  	_ =	shalt  }
0x62: {  	_ =	shalt  }
0x63: {  	_ =	shalt  }
0x64: {  	_ =	shalt  }
0x65: {  	_ =	shalt  }
0x66: {  	_ =	shalt  }
0x67: {  	_ =	shalt  }
0x68: {  	_ =	shalt  }
0x69: {  	_ =	shalt  }
0x6a: {  	_ =	shalt  }
0x6b: {  	_ =	shalt  }
0x6c: {  	_ =	shalt  }
0x6d: {  	_ =	shalt  }
0x6e: {  	_ =	shalt  }
0x6f: {  	_ =	shalt  }
0x70: {  	_ =	shalt  }
0x71: {  	_ =	shalt  }
0x72: {  	_ =	shalt  }
0x73: {  	_ =	shalt  }
0x74: {  	_ =	shalt  }
0x75: {  	_ =	shalt  }
0x76: {  	_ =	shalt  }
0x77: {  	_ =	shalt  }
0x78: {  	_ =	shalt  }
0x79: {  	_ =	shalt  }
0x7a: {  	_ =	shalt  }
0x7b: {  	_ =	shalt  }
0x7c: {  	_ =	shalt  }
0x7d: {  	_ =	shalt  }
0x7e: {  	_ =	shalt  }
0x7f: {  	_ =	shalt  }
0x80: {  	_ =	shalt  }
0x81: {  	_ =	shalt  }
0x82: {  	_ =	shalt  }
0x83: {  	_ =	shalt  }
0x84: {  	_ =	shalt  }
0x85: {  	_ =	shalt  }
0x86: {  	_ =	shalt  }
0x87: {  	_ =	shalt  }
.Lfunc_end0:
.L_simem_size_0:
called_computation.1_lowered:
.L_overlay_start_0:
0x88: {  	s2 =	sld [smem:$0x3FD9]  }
0x89: {  	s3 =	sld [smem:$0x3FFE];
	_ =	sdelay $0x1  }
0x8a: {  	s1 =	srdreg.scid  }
0x8b: {  	s0 =	sand.u32 $0x1, s1  }
0x8c: {  	s17 =	sshll.u32 s0, $0xA;
	s2 =	sadd.s32 s3, s2  }
0x8d: {  	s2 =	sadd.s32 s2, s17  }
0x8e: {  	[smem:$0x3FC5] =	sst s2  }
0x8f: {  	_ = 	snop  }
0x90: {  	s2 =	sld [smem:$0x3FD0];
	(tm) =	ssettm $0x1  }
0x91: {  	s18 =	sld [smem:$0x3FFB];
	_ =	sdelay $0x3  }
0x92: {  	_ =	strace s18  }
0x93: {  	s3 =	sld [smem:$0x3FFC];
	_ =	sdelay $0x3  }
0x94: {  	_ =	strace s3  }
0x95: {  	s3 =	sld [smem:$0x3FFD];
	_ =	sdelay $0x3  }
0x96: {  	_ =	strace s3  }
0x97: {  	_ =	strace $0x8FFFFFFF  }
0x98: {  	s19 =	sld [smem:$0x3FDB];
	_ =	sdelay $0x1  }
0x99: {  	s4 =	simm.s32 $_scs_section_size  }
0x9a: {  	s5 =	simm.s32 $_size__tile_overlayer_lowered;
	s6 =	simm.s32 $_tile_overlayer_lowered  }
0x9b: {  	s22 =	simm.s32 $0x1BFF;
	s21 =	sshll.u32 s6, $0x1;
	s3 =	sadd.s32 s4, s19  }
0x9c: {  	s7 =	simm.s32 $0x0;
	s20 =	sshll.u32 s5, $0x1;
	s5 =	sadd.s32 s21, s3  }
0x9d: {  	[timem:s7], [sflag:s22] =	dma.local [hbm:s5], s20  }
0x9e: {  	_ =	swait.ge [sflag:s22], s20  }
0x9f: {  	s4 =	ssub.s32 $0x0, s20;
	[sflag:s22] =	ssyncset.done $0x0  }
0xa0: {  	[sflag:s22] =	ssyncadd.s32 s4;
	_ =	sdelay $0x1  }
0xa1: {  	s23 =	simm.s32 $0x1B8B  }
0xa2: {  	_ =	swait.ge [sflag:s23], $0x1  }
0xa3: {  	[sflag:s23] =	ssyncset.done $0x0  }
0xa4: {  	s25 =	simm.s32 $0x1B8E;
	s24 =	sld [smem:$0x3FFE];
	[sflag:s23] =	ssyncadd.s32 $0xFFFFFFFF  }
0xa5: {  	s26 =	simm.s32 $execute0_lowered;
	[smem:$0x3FD2] =	sst s25  }
0xa6: {  	s5 =	sshll.u32 s26, $0x1;
	_ =	strace $0x80000046;
	[dreg:$0x1] =	wrdreg $0xFFFFFFFF  }
0xa7: {  	s28 =	simm.s32 $_size_execute0_lowered;
	s3 =	sadd.s32 s3, s5;
	[dreg:$0x0] =	wrdreg $0x0  }
0xa8: {  	s5 =	sshll.u32 s28, $0x1;
	[dreg:$0x2] =	wrdreg s3  }
0xa9: {  	[dreg:$0x3] =	wrdreg s5  }
0xaa: {  	[dreg:$0x4] =	wrdreg $0xC0  }
0xab: {  	_ =	task [dreg:s7], $0x5FFFF  }
0xac: {  	[dreg:$0x1] =	wrdreg $0xFFFFFFFF  }
0xad: {  	[dreg:$0x0] =	wrdreg $0x60  }
0xae: {  	[dreg:$0x2] =	wrdreg s24  }
0xaf: {  	[dreg:$0x3] =	wrdreg s2  }
0xb0: {  	[dreg:$0x4] =	wrdreg $0x9  }
0xb1: {  	_ =	task.clear_ibuf [dreg:s7], $0x5FFFF;
	_ =	strace $0x90000046  }
0xb2: {  	s29 =	simm.s32 $0x9;
	_ =	strace $0x80000048  }
0xb3: {  	_ =	swait.ge [sflag:s29], $0x1  }
0xb4: {  	[sflag:s29] =	ssyncadd.s32 $0xFFFFFFFF  }
0xb5: {  	_ =	strace $0x90000048  }
0xb6: {  	_ =	sfence  }
0xb7: {  	s30 =	sld [smem:$0x0];
	_ =	sdelay $0x2  }
0xb8: {  	s31 =	sshll.u32 s1, $0xD;
	s1 =	sshrl.u32 s1, $0x2  }
0xb9: {  	s3 =	sand.u32 $0x4000, s31;
	s1 =	sadd.s32 s1, s30  }
0xba: {  	s0 =	sor.u32 s3, s0;
	s1 =	sshll.u32 s1, $0x11  }
0xbb: {  	s0 =	sor.u32 s1, s0  }
0xbc: {  	s0 =	sadd.s32 $0x8F2B, s0  }
0xbd: {  	[sflag:s0] =	ssyncadd.remote.s32 $0x1  }
0xbe: {  	_ =	sfence.sel $0xFFFF  }
0xbf: {  	[dreg:$0x0] =	wrdreg $0xFFFFFFFF;
	(pc) =	sbr.abs _section_cstart, $3  }
0xc0: {  	[dreg:$0x1] =	wrdreg $0xFFFFFFFF  }
0xc1: {  	_ =	task.clear_ibuf [dreg:s7], $0x2FFFF;
	_ =	strace $0x9FFFFFFF  }
0xc2: {  	(tm) =	ssettm $0x7FFFFFFF  }
0xc3: {  	_ =	shalt  }
tec
execute0_lowered:
.L_overlay_start_1:
0x0: {  	(tag) =	ssettag $0x1  }
0x1: {  	s0 =	rddreg [dreg:$0x0]  }
0x2: {  	s1 =	simm.s32 $0x0;
	s25 =	srdreg.scid;
	s3 =	stileid.u32  }
0x3: {  	s10 =	simm.s32 $0x2;
	s11 =	simm.s32 $0x80;
	s12 =	simm.s32 $0xC80  }
0x4: {  	s16 =	simm.s32 $0xFC80;
	s17 =	simm.s32 $0x800;
	s18 =	simm.s32 $0x10C80  }
0x5: {  	s19 =	simm.s32 $0x880;
	s20 =	simm.s32 $0x11C80;
	s21 =	simm.s32 $0x900  }
0x6: {  	s22 =	simm.s32 $0x12C80;
	s23 =	simm.s32 $0x980;
	s24 =	simm.s32 $0x13C80  }
0x7: {  	s28 =	simm.s32 $0xA80;
	s29 =	simm.s32 $0x15C80;
	s30 =	simm.s32 $0xB00  }
0x8: {  	s31 =	simm.s32 $0x16C80;
	s9 =	simm.s32 $0xC00;
	s8 =	simm.s32 $0x1  }
0x9: {  	[smem:$0x7FF] =	sst s1;
	s1 =	sand.u32 $0x1, s25;
	s4 =	sadd.s32 $0xC00, s0  }
0xa: {  	s3 =	sshll.u32 s3, $0x1;
	s5 =	sadd.s32 $0xF43000, s0;
	s0 =	sadd.s32 $0x19C00, s0  }
0xb: {  	s25 =	simm.s32 $0xA00;
	_ =	strace $0x80000047;
	s2 =	ssub.s32 $0x2, s1  }
0xc: {  	s1 =	sor.u32 s1, s3;
	[dreg:$0x3] =	wrdreg s0;
	s6 =	sshrl.u32 s2, $0x1  }
0xd: {  	s3 =	simm.s32 $0x0;
	s7 =	smul.u32 $0x6400, s1;
	s26 =	ssub.s32 s2, s6  }
0xe: {  	s2 =	simm.s32 $0x17C80;
	s6 =	simm.s32 $0x18C80;
	s0 =	smax.u32 s26, $0x1  }
0xf: {  	s26 =	simm.s32 $0x14C80;
	[dreg:$0x4] =	wrdreg s0;
	s0 =	simm.s32 $0xB80  }
.LBB2_1:
0x10: {  	[dreg:$0x5] =	wrdreg s3  }
0x11: {  	s1 =	simm.s32 $0x0;
	s15 =	rddreg [dreg:$0x3];
	s13 =	simm.s32 $0x19C80  }
0x12: {  	[tilespmem:s13], [sflag:$0x2] =	stream.linear.gather [hbm4b:s15+s1], $0x1900, $0x38;
	[tilespmem:$0x1B580] =	vst v63  }
0x13: {  	_ =	swait.ge [sflag:s10], $0x1900  }
0x14: {  	[sflag:s10] =	ssyncset.done $0x0  }
0x15: {  	s1 =	simm.s32 $0x0;
	[sflag:s10] =	ssyncadd.s32 $0xFFFFE700  }
.LBB2_2:
0x16: {  	s3 =	smul.u32 $0xC80, s1;
	_ =	sdelay $0x1  }
0x17: {  	s3 =	sadd.s32 s7, s3  }
0x18: {  	s13 =	sshrl.u32 s3, $0x3  }
0x19: {  	s14 =	simm.s32 $0x0;
	s13 =	sadd.s32 s4, s13  }
0x1a: {  	[tilespmem:s14], [sflag:$0x2] =	stream.linear.gather [hbm4b:s13+s14], $0xC80, $0x38;
	[tilespmem:$0x1B580] =	vst v63  }
0x1b: {  	_ =	swait.ge [sflag:s10], $0xC80  }
0x1c: {  	[sflag:s10] =	ssyncset.done $0x0  }
0x1d: {  	[sflag:s10] =	ssyncadd.s32 $0xFFFFF380  }
0x1e: {  	[tilespmem:s12], [sflag:$0x1] =	stream.indirect.gather [hbm4b:s5+s11], $0x20, s14, s11, $0xb8;
	[tilespmem:$0x1B580] =	vst v63  }
0x1f: {  	s15 =	simm.s32 $0x1C80  }
0x20: {  	[tilespmem:s15], [sflag:$0x1] =	stream.indirect.gather [hbm4b:s5+s11], $0x20, s11, s11, $0xb8;
	[tilespmem:$0x1B580] =	vst v63  }
0x21: {  	s14 =	simm.s32 $0x100;
	s15 =	simm.s32 $0x2C80  }
0x22: {  	[tilespmem:s15], [sflag:$0x1] =	stream.indirect.gather [hbm4b:s5+s11], $0x20, s14, s11, $0xb8;
	[tilespmem:$0x1B580] =	vst v63  }
0x23: {  	s14 =	simm.s32 $0x180;
	s15 =	simm.s32 $0x3C80  }
0x24: {  	[tilespmem:s15], [sflag:$0x1] =	stream.indirect.gather [hbm4b:s5+s11], $0x20, s14, s11, $0xb8;
	[tilespmem:$0x1B580] =	vst v63  }
0x25: {  	s14 =	simm.s32 $0x200;
	s15 =	simm.s32 $0x4C80  }
0x26: {  	[tilespmem:s15], [sflag:$0x1] =	stream.indirect.gather [hbm4b:s5+s11], $0x20, s14, s11, $0xb8;
	[tilespmem:$0x1B580] =	vst v63  }
0x27: {  	s14 =	simm.s32 $0x280;
	s15 =	simm.s32 $0x5C80  }
0x28: {  	[tilespmem:s15], [sflag:$0x1] =	stream.indirect.gather [hbm4b:s5+s11], $0x20, s14, s11, $0xb8;
	[tilespmem:$0x1B580] =	vst v63  }
0x29: {  	s14 =	simm.s32 $0x300;
	s15 =	simm.s32 $0x6C80  }
0x2a: {  	[tilespmem:s15], [sflag:$0x1] =	stream.indirect.gather [hbm4b:s5+s11], $0x20, s14, s11, $0xb8;
	[tilespmem:$0x1B580] =	vst v63  }
0x2b: {  	s14 =	simm.s32 $0x380;
	s15 =	simm.s32 $0x7C80  }
0x2c: {  	[tilespmem:s15], [sflag:$0x1] =	stream.indirect.gather [hbm4b:s5+s11], $0x20, s14, s11, $0xb8;
	[tilespmem:$0x1B580] =	vst v63  }
0x2d: {  	s14 =	simm.s32 $0x400;
	s15 =	simm.s32 $0x8C80  }
0x2e: {  	[tilespmem:s15], [sflag:$0x1] =	stream.indirect.gather [hbm4b:s5+s11], $0x20, s14, s11, $0xb8;
	[tilespmem:$0x1B580] =	vst v63  }
0x2f: {  	s14 =	simm.s32 $0x480;
	s15 =	simm.s32 $0x9C80  }
0x30: {  	[tilespmem:s15], [sflag:$0x1] =	stream.indirect.gather [hbm4b:s5+s11], $0x20, s14, s11, $0xb8;
	[tilespmem:$0x1B580] =	vst v63  }
0x31: {  	s14 =	simm.s32 $0x500;
	s15 =	simm.s32 $0xAC80  }
0x32: {  	[tilespmem:s15], [sflag:$0x1] =	stream.indirect.gather [hbm4b:s5+s11], $0x20, s14, s11, $0xb8;
	[tilespmem:$0x1B580] =	vst v63  }
0x33: {  	s14 =	simm.s32 $0x580;
	s15 =	simm.s32 $0xBC80  }
0x34: {  	[tilespmem:s15], [sflag:$0x1] =	stream.indirect.gather [hbm4b:s5+s11], $0x20, s14, s11, $0xb8;
	[tilespmem:$0x1B580] =	vst v63  }
0x35: {  	s14 =	simm.s32 $0x600;
	s15 =	simm.s32 $0xCC80  }
0x36: {  	[tilespmem:s15], [sflag:$0x1] =	stream.indirect.gather [hbm4b:s5+s11], $0x20, s14, s11, $0xb8;
	[tilespmem:$0x1B580] =	vst v63  }
0x37: {  	s14 =	simm.s32 $0x680;
	s15 =	simm.s32 $0xDC80  }
0x38: {  	[tilespmem:s15], [sflag:$0x1] =	stream.indirect.gather [hbm4b:s5+s11], $0x20, s14, s11, $0xb8;
	[tilespmem:$0x1B580] =	vst v63  }
0x39: {  	s14 =	simm.s32 $0x700;
	s15 =	simm.s32 $0xEC80  }
0x3a: {  	[tilespmem:s15], [sflag:$0x1] =	stream.indirect.gather [hbm4b:s5+s11], $0x20, s14, s11, $0xb8;
	[tilespmem:$0x1B580] =	vst v63  }
0x3b: {  	s15 =	simm.s32 $0x780  }
0x3c: {  	[tilespmem:s16], [sflag:$0x1] =	stream.indirect.gather [hbm4b:s5+s11], $0x20, s15, s11, $0xb8;
	[tilespmem:$0x1B580] =	vst v63  }
0x3d: {  	_ = 	snop  }
0x3e: {  	[tilespmem:s18], [sflag:$0x1] =	stream.indirect.gather [hbm4b:s5+s11], $0x20, s17, s11, $0xb8;
	[tilespmem:$0x1B580] =	vst v63  }
0x3f: {  	_ = 	snop  }
0x40: {  	[tilespmem:s20], [sflag:$0x1] =	stream.indirect.gather [hbm4b:s5+s11], $0x20, s19, s11, $0xb8;
	[tilespmem:$0x1B580] =	vst v63  }
0x41: {  	_ = 	snop  }
0x42: {  	[tilespmem:s22], [sflag:$0x1] =	stream.indirect.gather [hbm4b:s5+s11], $0x20, s21, s11, $0xb8;
	[tilespmem:$0x1B580] =	vst v63  }
0x43: {  	_ = 	snop  }
0x44: {  	[tilespmem:s24], [sflag:$0x1] =	stream.indirect.gather [hbm4b:s5+s11], $0x20, s23, s11, $0xb8;
	[tilespmem:$0x1B580] =	vst v63  }
0x45: {  	_ = 	snop  }
0x46: {  	[tilespmem:s26], [sflag:$0x1] =	stream.indirect.gather [hbm4b:s5+s11], $0x20, s25, s11, $0xb8;
	[tilespmem:$0x1B580] =	vst v63  }
0x47: {  	_ = 	snop  }
0x48: {  	[tilespmem:s29], [sflag:$0x1] =	stream.indirect.gather [hbm4b:s5+s11], $0x20, s28, s11, $0xb8;
	[tilespmem:$0x1B580] =	vst v63  }
0x49: {  	_ = 	snop  }
0x4a: {  	[tilespmem:s31], [sflag:$0x1] =	stream.indirect.gather [hbm4b:s5+s11], $0x20, s30, s11, $0xb8;
	[tilespmem:$0x1B580] =	vst v63  }
0x4b: {  	_ = 	snop  }
0x4c: {  	[tilespmem:s2], [sflag:$0x1] =	stream.indirect.gather [hbm4b:s5+s11], $0x20, s0, s11, $0xb8;
	[tilespmem:$0x1B580] =	vst v63  }
0x4d: {  	_ = 	snop  }
0x4e: {  	[tilespmem:s6], [sflag:$0x1] =	stream.indirect.gather [hbm4b:s5+s11], $0x20, s9, s11, $0xb8;
	[tilespmem:$0x1B580] =	vst v63  }
0x4f: {  	_ =	swait.ge [sflag:s8], $0x1000  }
0x50: {  	[sflag:s8] =	ssyncset.done $0x0  }
0x51: {  	[sflag:s8] =	ssyncadd.s32 $0xFFFFF000  }
0x52: {  	_ =	swait.ge [sflag:s8], $0x1000  }
0x53: {  	[sflag:s8] =	ssyncset.done $0x0  }
0x54: {  	[sflag:s8] =	ssyncadd.s32 $0xFFFFF000  }
0x55: {  	_ =	swait.ge [sflag:s8], $0x1000  }
0x56: {  	[sflag:s8] =	ssyncset.done $0x0  }
0x57: {  	[sflag:s8] =	ssyncadd.s32 $0xFFFFF000  }
0x58: {  	_ =	swait.ge [sflag:s8], $0x1000  }
0x59: {  	[sflag:s8] =	ssyncset.done $0x0  }
0x5a: {  	[sflag:s8] =	ssyncadd.s32 $0xFFFFF000  }
0x5b: {  	_ =	swait.ge [sflag:s8], $0x1000  }
0x5c: {  	[sflag:s8] =	ssyncset.done $0x0  }
0x5d: {  	[sflag:s8] =	ssyncadd.s32 $0xFFFFF000  }
0x5e: {  	_ =	swait.ge [sflag:s8], $0x1000  }
0x5f: {  	[sflag:s8] =	ssyncset.done $0x0  }
0x60: {  	[sflag:s8] =	ssyncadd.s32 $0xFFFFF000  }
0x61: {  	_ =	swait.ge [sflag:s8], $0x1000  }
0x62: {  	[sflag:s8] =	ssyncset.done $0x0  }
0x63: {  	[sflag:s8] =	ssyncadd.s32 $0xFFFFF000  }
0x64: {  	_ =	swait.ge [sflag:s8], $0x1000  }
0x65: {  	[sflag:s8] =	ssyncset.done $0x0  }
0x66: {  	[sflag:s8] =	ssyncadd.s32 $0xFFFFF000  }
0x67: {  	_ =	swait.ge [sflag:s8], $0x1000  }
0x68: {  	[sflag:s8] =	ssyncset.done $0x0  }
0x69: {  	[sflag:s8] =	ssyncadd.s32 $0xFFFFF000  }
0x6a: {  	_ =	swait.ge [sflag:s8], $0x1000  }
0x6b: {  	[sflag:s8] =	ssyncset.done $0x0  }
0x6c: {  	[sflag:s8] =	ssyncadd.s32 $0xFFFFF000  }
0x6d: {  	_ =	swait.ge [sflag:s8], $0x1000  }
0x6e: {  	[sflag:s8] =	ssyncset.done $0x0  }
0x6f: {  	[sflag:s8] =	ssyncadd.s32 $0xFFFFF000  }
0x70: {  	_ =	swait.ge [sflag:s8], $0x1000  }
0x71: {  	[sflag:s8] =	ssyncset.done $0x0  }
0x72: {  	[sflag:s8] =	ssyncadd.s32 $0xFFFFF000  }
0x73: {  	_ =	swait.ge [sflag:s8], $0x1000  }
0x74: {  	[sflag:s8] =	ssyncset.done $0x0  }
0x75: {  	[sflag:s8] =	ssyncadd.s32 $0xFFFFF000  }
0x76: {  	_ =	swait.ge [sflag:s8], $0x1000  }
0x77: {  	[sflag:s8] =	ssyncset.done $0x0  }
0x78: {  	[sflag:s8] =	ssyncadd.s32 $0xFFFFF000  }
0x79: {  	_ =	swait.ge [sflag:s8], $0x1000  }
0x7a: {  	[sflag:s8] =	ssyncset.done $0x0  }
0x7b: {  	[sflag:s8] =	ssyncadd.s32 $0xFFFFF000  }
0x7c: {  	_ =	swait.ge [sflag:s8], $0x1000  }
0x7d: {  	[sflag:s8] =	ssyncset.done $0x0  }
0x7e: {  	[sflag:s8] =	ssyncadd.s32 $0xFFFFF000  }
0x7f: {  	_ =	swait.ge [sflag:s8], $0x1000  }
0x80: {  	[sflag:s8] =	ssyncset.done $0x0  }
0x81: {  	[sflag:s8] =	ssyncadd.s32 $0xFFFFF000  }
0x82: {  	_ =	swait.ge [sflag:s8], $0x1000  }
0x83: {  	[sflag:s8] =	ssyncset.done $0x0  }
0x84: {  	[sflag:s8] =	ssyncadd.s32 $0xFFFFF000  }
0x85: {  	_ =	swait.ge [sflag:s8], $0x1000  }
0x86: {  	[sflag:s8] =	ssyncset.done $0x0  }
0x87: {  	[sflag:s8] =	ssyncadd.s32 $0xFFFFF000  }
0x88: {  	_ =	swait.ge [sflag:s8], $0x1000  }
0x89: {  	[sflag:s8] =	ssyncset.done $0x0  }
0x8a: {  	[sflag:s8] =	ssyncadd.s32 $0xFFFFF000  }
0x8b: {  	_ =	swait.ge [sflag:s8], $0x1000  }
0x8c: {  	[sflag:s8] =	ssyncset.done $0x0  }
0x8d: {  	[sflag:s8] =	ssyncadd.s32 $0xFFFFF000  }
0x8e: {  	_ =	swait.ge [sflag:s8], $0x1000  }
0x8f: {  	[sflag:s8] =	ssyncset.done $0x0  }
0x90: {  	[sflag:s8] =	ssyncadd.s32 $0xFFFFF000  }
0x91: {  	_ =	swait.ge [sflag:s8], $0x1000  }
0x92: {  	[sflag:s8] =	ssyncset.done $0x0  }
0x93: {  	[sflag:s8] =	ssyncadd.s32 $0xFFFFF000  }
0x94: {  	_ =	swait.ge [sflag:s8], $0x1000  }
0x95: {  	[sflag:s8] =	ssyncset.done $0x0  }
0x96: {  	[sflag:s8] =	ssyncadd.s32 $0xFFFFF000  }
0x97: {  	_ =	swait.ge [sflag:s8], $0x1000  }
0x98: {  	[sflag:s8] =	ssyncset.done $0x0  }
0x99: {  	s13 =	simm.s32 $0x0;
	[sflag:s8] =	ssyncadd.s32 $0xFFFFF000  }
0x9a: {  	v1 =	vld [tilespmem:s13+$0x19C80]  }
0x9b: {  	v0 =	vld [tilespmem:s13+$0x19C90]  }
0x9c: {  	v2 =	vld [tilespmem:s13+$0xC80]  }
0x9d: {  	v3 =	vld [tilespmem:s13+$0xC90]  }
0x9e: {  	v4 =	vld [tilespmem:s13+$0x2580]  }
0x9f: {  	v5 =	vld [tilespmem:s13+$0x2590]  }
0xa0: {  	v6 =	vld [tilespmem:s13+$0x3E80]  }
0xa1: {  	v7 =	vld [tilespmem:s13+$0x3E90];
	v2 =	vadd.f32 v2, v1  }
0xa2: {  	v8 =	vld [tilespmem:s13+$0x5780];
	v3 =	vadd.f32 v3, v0  }
0xa3: {  	v4 =	vadd.f32 v4, v1;
	[tilespmem:s13+$0xC80] =	vst v2;
	v2 =	vld [tilespmem:s13+$0x5790]  }
0xa4: {  	v5 =	vadd.f32 v5, v0;
	[tilespmem:s13+$0xC90] =	vst v3;
	v3 =	vld [tilespmem:s13+$0x7080]  }
0xa5: {  	v6 =	vadd.f32 v6, v1;
	[tilespmem:s13+$0x2580] =	vst v4;
	v4 =	vld [tilespmem:s13+$0x7090]  }
0xa6: {  	v7 =	vadd.f32 v7, v0;
	[tilespmem:s13+$0x2590] =	vst v5;
	v5 =	vld [tilespmem:s13+$0x8980]  }
0xa7: {  	v8 =	vadd.f32 v8, v1;
	[tilespmem:s13+$0x3E80] =	vst v6;
	v6 =	vld [tilespmem:s13+$0x8990]  }
0xa8: {  	[tilespmem:s13+$0x3E90] =	vst v7;
	v7 =	vld [tilespmem:s13+$0xA280];
	v2 =	vadd.f32 v2, v0  }
0xa9: {  	[tilespmem:s13+$0x5780] =	vst v8;
	v8 =	vld [tilespmem:s13+$0xA290];
	v3 =	vadd.f32 v3, v1  }
0xaa: {  	v4 =	vadd.f32 v4, v0;
	[tilespmem:s13+$0x5790] =	vst v2;
	v2 =	vld [tilespmem:s13+$0xBB80]  }
0xab: {  	v5 =	vadd.f32 v5, v1;
	[tilespmem:s13+$0x7080] =	vst v3;
	v3 =	vld [tilespmem:s13+$0xBB90]  }
0xac: {  	v6 =	vadd.f32 v6, v0;
	[tilespmem:s13+$0x7090] =	vst v4;
	v4 =	vld [tilespmem:s13+$0xD480]  }
0xad: {  	v7 =	vadd.f32 v7, v1;
	[tilespmem:s13+$0x8980] =	vst v5;
	v5 =	vld [tilespmem:s13+$0xD490]  }
0xae: {  	v8 =	vadd.f32 v8, v0;
	[tilespmem:s13+$0x8990] =	vst v6;
	v6 =	vld [tilespmem:s13+$0xED80]  }
0xaf: {  	[tilespmem:s13+$0xA280] =	vst v7;
	v7 =	vld [tilespmem:s13+$0xED90];
	v2 =	vadd.f32 v2, v1  }
0xb0: {  	[tilespmem:s13+$0xA290] =	vst v8;
	v8 =	vld [tilespmem:s13+$0x10680]  }
0xb1: {  	v3 =	vadd.f32 v3, v0;
	[tilespmem:s13+$0xBB80] =	vst v2;
	v2 =	vld [tilespmem:s13+$0x10690]  }
0xb2: {  	v4 =	vadd.f32 v4, v1  }
0xb3: {  	[tilespmem:s13+$0xBB90] =	vst v3;
	v3 =	vadd.f32 v5, v0;
	v5 =	vld [tilespmem:s13+$0x11F90]  }
0xb4: {  	v9 =	vld [tilespmem:s13+$0x11F80];
	[tilespmem:s13+$0xD480] =	vst v4;
	v4 =	vadd.f32 v6, v1  }
0xb5: {  	v6 =	vld [tilespmem:s13+$0x13880];
	[tilespmem:s13+$0xD490] =	vst v3;
	v3 =	vadd.f32 v7, v0  }
0xb6: {  	[tilespmem:s13+$0xED80] =	vst v4;
	v7 =	vld [tilespmem:s13+$0x13890];
	v4 =	vadd.f32 v8, v1;
	v8 =	vadd.f32 v2, v0  }
0xb7: {  	[tilespmem:s13+$0xED90] =	vst v3;
	v3 =	vld [tilespmem:s13+$0x15180]  }
0xb8: {  	v2 =	vld [tilespmem:s13+$0x15190];
	[tilespmem:s13+$0x10690] =	vst v8;
	v8 =	vadd.f32 v5, v0  }
0xb9: {  	v9 =	vadd.f32 v9, v1;
	[tilespmem:s13+$0x10680] =	vst v4;
	v4 =	vld [tilespmem:s13+$0x16A80]  }
0xba: {  	v5 =	vld [tilespmem:s13+$0x16A90];
	[tilespmem:s13+$0x11F90] =	vst v8;
	v8 =	vadd.f32 v6, v1  }
0xbb: {  	s14 =	simm.s32 $0x80;
	[tilespmem:s13+$0x11F80] =	vst v9;
	v7 =	vadd.f32 v7, v0;
	v6 =	vld [tilespmem:s13+$0x18380]  }
.LBB2_3:
0xbc: {  	s15 =	sshra.s32 s14, $0x2;
	p0 =	sne.s32 s14, $0x6380;
	[tilespmem:s13+$0x13880] =	vst v8;
	v3 =	vadd.f32 v3, v1;
	v8 =	vld [tilespmem:s13+$0x18390]  }
0xbd: {  	v9 =	vld [tilespmem:s15+$0x19C80];
	[tilespmem:s13+$0x13890] =	vst v7;
	v2 =	vadd.f32 v2, v0  }
0xbe: {  	v7 =	vld [tilespmem:s15+$0x19C90];
	[tilespmem:s13+$0x15180] =	vst v3;
	v3 =	vadd.f32 v4, v1  }
0xbf: {  	v4 =	vld [tilespmem:s15+$0xC80];
	[tilespmem:s13+$0x15190] =	vst v2;
	v2 =	vadd.f32 v5, v0  }
0xc0: {  	v5 =	vld [tilespmem:s15+$0xC90];
	[tilespmem:s13+$0x16A80] =	vst v3;
	v6 =	vadd.f32 v6, v1  }
0xc1: {  	v3 =	vld [tilespmem:s15+$0x2580];
	[tilespmem:s13+$0x16A90] =	vst v2;
	v8 =	vadd.f32 v8, v0  }
0xc2: {  	v2 =	vld [tilespmem:s15+$0x2590];
	[tilespmem:s13+$0x18380] =	vst v6;
	v1 =	vmov v9  }
0xc3: {  	v6 =	vld [tilespmem:s15+$0x3E80];
	[tilespmem:s13+$0x18390] =	vst v8;
	v0 =	vmov v7;
	s13 =	smov.u32 s15  }
0xc4: {  	v4 =	vadd.f32 v4, v1;
	v7 =	vld [tilespmem:s13+$0x3E90]  }
0xc5: {  	v5 =	vadd.f32 v5, v0;
	v8 =	vld [tilespmem:s13+$0x5780]  }
0xc6: {  	[tilespmem:s13+$0xC80] =	vst v4;
	v3 =	vadd.f32 v3, v1;
	v4 =	vld [tilespmem:s13+$0x5790]  }
0xc7: {  	[tilespmem:s13+$0xC90] =	vst v5;
	v2 =	vadd.f32 v2, v0;
	v5 =	vld [tilespmem:s13+$0x7080]  }
0xc8: {  	[tilespmem:s13+$0x2580] =	vst v3;
	v3 =	vadd.f32 v6, v1;
	v6 =	vld [tilespmem:s13+$0x7090]  }
0xc9: {  	[tilespmem:s13+$0x2590] =	vst v2;
	v2 =	vadd.f32 v7, v0;
	v7 =	vld [tilespmem:s13+$0x8980]  }
0xca: {  	[tilespmem:s13+$0x3E80] =	vst v3;
	v3 =	vadd.f32 v8, v1;
	v8 =	vld [tilespmem:s13+$0x8990]  }
0xcb: {  	[tilespmem:s13+$0x3E90] =	vst v2;
	v2 =	vadd.f32 v4, v0;
	v4 =	vld [tilespmem:s13+$0xA280]  }
0xcc: {  	[tilespmem:s13+$0x5780] =	vst v3;
	v3 =	vadd.f32 v5, v1;
	v5 =	vld [tilespmem:s13+$0xA290]  }
0xcd: {  	[tilespmem:s13+$0x5790] =	vst v2;
	v2 =	vadd.f32 v6, v0;
	v6 =	vld [tilespmem:s13+$0xBB80]  }
0xce: {  	[tilespmem:s13+$0x7080] =	vst v3;
	v3 =	vadd.f32 v7, v1;
	v7 =	vld [tilespmem:s13+$0xBB90]  }
0xcf: {  	[tilespmem:s13+$0x7090] =	vst v2;
	v2 =	vadd.f32 v8, v0;
	v8 =	vld [tilespmem:s13+$0xD480]  }
0xd0: {  	[tilespmem:s13+$0x8980] =	vst v3;
	v3 =	vadd.f32 v4, v1;
	v4 =	vld [tilespmem:s13+$0xD490]  }
0xd1: {  	[tilespmem:s13+$0x8990] =	vst v2;
	v2 =	vadd.f32 v5, v0;
	v5 =	vld [tilespmem:s13+$0xED80]  }
0xd2: {  	[tilespmem:s13+$0xA280] =	vst v3;
	v3 =	vadd.f32 v6, v1;
	v6 =	vld [tilespmem:s13+$0xED90]  }
0xd3: {  	[tilespmem:s13+$0xA290] =	vst v2;
	v2 =	vadd.f32 v7, v0;
	v7 =	vld [tilespmem:s13+$0x10680]  }
0xd4: {  	[tilespmem:s13+$0xBB80] =	vst v3;
	v3 =	vadd.f32 v8, v1;
	v8 =	vld [tilespmem:s13+$0x10690]  }
0xd5: {  	[tilespmem:s13+$0xBB90] =	vst v2;
	v2 =	vadd.f32 v4, v0;
	v4 =	vld [tilespmem:s13+$0x11F80]  }
0xd6: {  	[tilespmem:s13+$0xD480] =	vst v3;
	v3 =	vadd.f32 v5, v1;
	v5 =	vld [tilespmem:s13+$0x11F90]  }
0xd7: {  	[tilespmem:s13+$0xD490] =	vst v2;
	v2 =	vadd.f32 v6, v0;
	v6 =	vld [tilespmem:s13+$0x13880]  }
0xd8: {  	[tilespmem:s13+$0xED80] =	vst v3;
	v7 =	vadd.f32 v7, v1;
	v9 =	vld [tilespmem:s13+$0x13890]  }
.Ltmp0:
0xd9: {  	[tilespmem:s13+$0xED90] =	vst v2;
	v8 =	vadd.f32 v8, v0;
	v3 =	vld [tilespmem:s13+$0x15180];
	(pc) =	sbr.rel @p0 .LBB2_3-.Ltmp0, $4  }
0xda: {  	[tilespmem:s13+$0x10680] =	vst v7;
	v7 =	vadd.f32 v4, v1;
	v2 =	vld [tilespmem:s13+$0x15190]  }
0xdb: {  	[tilespmem:s13+$0x10690] =	vst v8;
	v10 =	vadd.f32 v5, v0;
	v4 =	vld [tilespmem:s13+$0x16A80]  }
0xdc: {  	[tilespmem:s13+$0x11F80] =	vst v7;
	v8 =	vadd.f32 v6, v1;
	v5 =	vld [tilespmem:s13+$0x16A90]  }
0xdd: {  	s14 =	sadd.s32 $0x80, s14;
	[tilespmem:s13+$0x11F90] =	vst v10;
	v7 =	vadd.f32 v9, v0;
	v6 =	vld [tilespmem:s13+$0x18380]  }
0xde: {  	[tilespmem:s13+$0x13880] =	vst v8;
	v3 =	vadd.f32 v3, v1;
	v59 =	vld [tilespmem:s13+$0x18390]  }
0xdf: {  	[tilespmem:s13+$0x13890] =	vst v7;
	v2 =	vadd.f32 v2, v0  }
0xe0: {  	[tilespmem:s13+$0x15180] =	vst v3;
	v60 =	vadd.f32 v4, v1  }
0xe1: {  	[tilespmem:s13+$0x15190] =	vst v2;
	v61 =	vadd.f32 v5, v0  }
0xe2: {  	[tilespmem:s13+$0x16A80] =	vst v60;
	v62 =	vadd.f32 v6, v1  }
0xe3: {  	s1 =	sadd.s32 $0x1, s1;
	[tilespmem:s13+$0x16A90] =	vst v61;
	v63 =	vadd.f32 v59, v0  }
0xe4: {  	s3 =	sshll.u32 s3, $0x2;
	s14 =	rddreg [dreg:$0x1];
	p0 =	sne.s32 s1, $0x8;
	[tilespmem:s13+$0x18380] =	vst v62  }
.Ltmp1:
0xe5: {  	s15 =	simm.s32 $0x0;
	s3 =	sadd.s32 s14, s3;
	[tilespmem:s13+$0x18390] =	vst v63;
	(pc) =	sbr.rel @p0 .LBB2_2-.Ltmp1, $4  }
0xe6: {  	[hbm4b:s3+s15] =	stream.linear.scatter [tilespmem:s12], [sflag:$0x2], $0x19000, $0x38;
	[tilespmem:$0x1B580] =	vst v63  }
0xe7: {  	_ =	swait.ge [sflag:s10], $0x19000  }
0xe8: {  	[sflag:s10] =	ssyncset.done $0x0  }
0xe9: {  	[sflag:s10] =	ssyncadd.s32 $0xFFFE7000  }
0xea: {  	s3 =	rddreg [dreg:$0x5]  }
0xeb: {  	s1 =	rddreg [dreg:$0x4];
	s3 =	sadd.s32 $0x1, s3  }
0xec: {  	p0 =	sne.s32 s3, s1  }
.Ltmp2:
0xed: {  	_ = 	snop;
	(pc) =	sbr.rel @p0 .LBB2_1-.Ltmp2, $1  }
0xee: {  	_ =	sdelay $0x3  }
0xef: {  	_ =	sfence.sel $0x180000  }
0xf0: {  	[bflag:$0x0] =	sbarrier.arrive $0xFFFF  }
0xf1: {  	_ =	strace $0x90000047  }
0xf2: {  	s0 =	stileid.u32;
	[bflag:$0x2] =	sbarrier.arrive $0xFFFF  }
0xf3: {  	p0 =	sne.s32 s0, $0x0;
	s0 =	rddreg [dreg:$0x2]  }
0xf4: {  	s0 =	sadd.s32 @!p0 $0x100000, s0  }
0xf5: {  	[sflag:s0] =	ssyncadd.tile.s32 @!p0 $0x1;
	_ =	shalt  }
.Lfunc_end2:
_tile_overlayer_lowered:
.L_overlay_start_2:
0xf6: {  	(tag) =	ssettag $0x2  }
0xf7: {  	s0 =	rddreg [dreg:$0x0];
	s2 =	stileid.u32  }
0xf8: {  	s1 =	rddreg [dreg:$0x1];
	p0 =	sne.s32 s2, $0x0  }
0xf9: {  	s3 =	rddreg [dreg:$0x2];
	[bflag:$0x3] =	sbarrier.arrive $0xFFFF;
	s2 =	simm.s32 @!p0 $0x1C02  }
0xfa: {  	[timem:s3], [sflag:s2] =	dma.local @!p0 [hbm:s0], s1  }
0xfb: {  	s0 =	simm.s32 @!p0 $0x2  }
0xfc: {  	_ =	swait.ge @!p0 [sflag:s0], s1  }
0xfd: {  	s1 =	ssub.s32 @!p0 $0x0, s1;
	[sflag:s0] =	ssyncset.done @!p0 $0x0  }
0xfe: {  	[sflag:s0] =	ssyncadd.s32 @!p0 s1  }
0xff: {  	[bflag:$0x3] =	sbarrier.arrive $0xFFFF  }
0x100: {  	_ =	shalt  }

// kernel: sparse-core-data-format-call.cloned.1.call-start
scs
called_computation_lowered:
.L_overlay_start_0:
0x0: {  	s2 =	sld [smem:$0x3FD9]  }
0x1: {  	s3 =	sld [smem:$0x3FFE];
	_ =	sdelay $0x1  }
0x2: {  	s1 =	srdreg.scid  }
0x3: {  	s0 =	sand.u32 $0x1, s1  }
0x4: {  	s18 =	sshll.u32 s0, $0xA;
	s2 =	sadd.s32 s3, s2  }
0x5: {  	s2 =	sadd.s32 s2, s18  }
0x6: {  	[smem:$0x3FC5] =	sst s2  }
0x7: {  	_ = 	snop  }
0x8: {  	s2 =	sld [smem:$0x3FD0];
	(tm) =	ssettm $0x1  }
0x9: {  	s19 =	sld [smem:$0x3FFB];
	_ =	sdelay $0x3  }
0xa: {  	_ =	strace s19  }
0xb: {  	s3 =	sld [smem:$0x3FFC];
	_ =	sdelay $0x3  }
0xc: {  	_ =	strace s3  }
0xd: {  	s3 =	sld [smem:$0x3FFD];
	_ =	sdelay $0x3  }
0xe: {  	_ =	strace s3  }
0xf: {  	_ =	strace $0x8FFFFFFF  }
0x10: {  	s20 =	sld [smem:$0x3FDB];
	_ =	sdelay $0x1  }
0x11: {  	s4 =	simm.s32 $_scs_section_size  }
0x12: {  	s5 =	simm.s32 $_size__tile_overlayer_lowered;
	s6 =	simm.s32 $_tile_overlayer_lowered  }
0x13: {  	s23 =	simm.s32 $0x1BFF;
	s22 =	sshll.u32 s6, $0x1;
	s3 =	sadd.s32 s4, s20  }
0x14: {  	s7 =	simm.s32 $0x0;
	s21 =	sshll.u32 s5, $0x1;
	s5 =	sadd.s32 s22, s3  }
0x15: {  	[timem:s7], [sflag:s23] =	dma.local [hbm:s5], s21  }
0x16: {  	_ =	swait.ge [sflag:s23], s21  }
0x17: {  	s4 =	ssub.s32 $0x0, s21;
	[sflag:s23] =	ssyncset.done $0x0  }
0x18: {  	[sflag:s23] =	ssyncadd.s32 s4;
	_ =	sdelay $0x1  }
0x19: {  	s24 =	simm.s32 $0x1B8B  }
0x1a: {  	_ =	swait.ge [sflag:s24], $0x1  }
0x1b: {  	[sflag:s24] =	ssyncset.done $0x0  }
0x1c: {  	s26 =	simm.s32 $0x1B8E;
	s25 =	sld [smem:$0x3FFE];
	[sflag:s24] =	ssyncadd.s32 $0xFFFFFFFF  }
0x1d: {  	s27 =	simm.s32 $execute0_lowered;
	[smem:$0x3FD2] =	sst s26  }
0x1e: {  	s5 =	sshll.u32 s27, $0x1;
	_ =	strace $0x80000049;
	[dreg:$0x1] =	wrdreg $0xFFFFFFFF  }
0x1f: {  	s28 =	simm.s32 $_size_execute0_lowered;
	s3 =	sadd.s32 s3, s5;
	[dreg:$0x0] =	wrdreg $0x0  }
0x20: {  	s5 =	sshll.u32 s28, $0x1;
	[dreg:$0x2] =	wrdreg s3  }
0x21: {  	[dreg:$0x3] =	wrdreg s5  }
0x22: {  	[dreg:$0x4] =	wrdreg $0xC0  }
0x23: {  	_ =	task [dreg:s7], $0x5FFFF  }
0x24: {  	[dreg:$0x1] =	wrdreg $0xFFFFFFFF  }
0x25: {  	[dreg:$0x0] =	wrdreg $0x60  }
0x26: {  	[dreg:$0x2] =	wrdreg s25  }
0x27: {  	[dreg:$0x3] =	wrdreg s2  }
0x28: {  	[dreg:$0x4] =	wrdreg $0x9  }
0x29: {  	_ =	task.clear_ibuf [dreg:s7], $0x5FFFF;
	_ =	strace $0x90000049  }
0x2a: {  	s29 =	simm.s32 $0x9;
	_ =	strace $0x8000004B  }
0x2b: {  	_ =	swait.ge [sflag:s29], $0x1  }
0x2c: {  	[sflag:s29] =	ssyncadd.s32 $0xFFFFFFFF  }
0x2d: {  	_ =	strace $0x9000004B  }
0x2e: {  	_ =	sfence  }
0x2f: {  	s30 =	sld [smem:$0x0];
	_ =	sdelay $0x2  }
0x30: {  	s31 =	sshll.u32 s1, $0xD;
	s1 =	sshrl.u32 s1, $0x2  }
0x31: {  	s3 =	sand.u32 $0x4000, s31;
	s1 =	sadd.s32 s1, s30  }
0x32: {  	s0 =	sor.u32 s3, s0;
	s1 =	sshll.u32 s1, $0x11  }
0x33: {  	s0 =	sor.u32 s1, s0  }
0x34: {  	s0 =	sadd.s32 $0x8F2B, s0  }
0x35: {  	[sflag:s0] =	ssyncadd.remote.s32 $0x1  }
0x36: {  	_ =	sfence.sel $0xFFFF  }
0x37: {  	[dreg:$0x0] =	wrdreg $0xFFFFFFFF;
	(pc) =	sbr.abs _section_cstart, $3  }
0x38: {  	[dreg:$0x1] =	wrdreg $0xFFFFFFFF  }
0x39: {  	_ =	task.clear_ibuf [dreg:s7], $0x2FFFF;
	_ =	strace $0x9FFFFFFF  }
0x3a: {  	(tm) =	ssettm $0x7FFFFFFF  }
0x3b: {  	_ =	shalt  }
tec
execute0_lowered:
.L_overlay_start_1:
0x0: {  	(tag) =	ssettag $0x1  }
0x1: {  	s0 =	srdreg.scid  }
0x2: {  	s1 =	sshll.u32 s0, $0x4  }
0x3: {  	s0 =	stileid.u32;
	s1 =	sand.u32 $0x10, s1  }
0x4: {  	s1 =	sor.u32 s0, s1  }
0x5: {  	s6 =	rddreg [dreg:$0x0];
	s4 =	simm.s32 $0x1;
	s2 =	sshll.u32 s1, $0x7  }
0x6: {  	s7 =	simm.s32 $0x2;
	s12 =	simm.s32 $0x0;
	s1 =	ssub.s32 $0x1000, s2  }
0x7: {  	s8 =	simm.s32 $0x8000;
	s13 =	simm.s32 $0x0;
	s3 =	sand.u32 $0xF80, s1  }
0x8: {  	s9 =	simm.s32 $0x0;
	s5 =	sshrl.u32 s1, $0xC;
	p0 =	sne.s32 s3, $0x0  }
.Ltmp0:
0x9: {  	s1 =	rddreg [dreg:$0x2];
	s4 =	simm.s32 @!p0 $0x0;
	(pc) =	sbr.rel .LBB1_1-.Ltmp0, $4  }
0xa: {  	s11 =	simm.s32 $0x0;
	s3 =	rddreg [dreg:$0x1];
	s5 =	sadd.s32 s4, s5  }
0xb: {  	_ =	strace $0x8000004A;
	s4 =	simm.s32 $0x1;
	s5 =	smul.u32 $0xC8, s5  }
0xc: {  	s6 =	sadd.s32 $0xC00, s6;
	s10 =	smov.u32 s2;
	[sflag:s4] =	ssyncpa.u1 $0x0  }
0xd: {  	p0 =	por $0x0, $0x0;
	[sflag:s7] =	ssyncpa.u1 $0x0;
	s7 =	sor.u32 $0x1, s5  }
.LBB1_4:
0xe: {  	s16 =	sshll.u32 s13, $0x3;
	s17 =	sand.u32 $0x78, s13  }
0xf: {  	s30 =	sand.u32 $0x3E00, s13;
	s12 =	sshll.u32 s12, $0xE;
	s16 =	sand.u32 $0xC00, s16  }
0x10: {  	s31 =	sand.u32 $0x7, s13;
	s16 =	sor.u32 s17, s16;
	s17 =	sadd.s32 s3, s30  }
0x11: {  	s13 =	sshll.u32 s31, $0x12;
	s16 =	sshrl.u32 s16, $0x3;
	s12 =	sadd.s32 s12, s17  }
0x12: {  	[tilespmem:s15+$0x0 ss:$0x81] =	vst.msk $0xffff, v0;
	s13 =	sor.u32 $0x400, s13;
	s12 =	sadd.s32 s16, s12  }
0x13: {  	[hbm4b:s12+s13] =	stream.strided.scatter [tilespmem:s14], [sflag:$0x2], $0x1000, s8, s13, $0x20;
	[tilespmem:$0x4040] =	vst v63  }
.LBB1_5:
0x14: {  	s14 =	sadd.s32 $0x1, s9  }
0x15: {  	s12 =	sadd.s32 $0x1000, s10;
	s16 =	smov.u32 s10;
	p2 =	sgt.s32 s14, $0xC7  }
0x16: {  	s16 =	smov.u32 @p2 s12  }
0x17: {  	s14 =	simm.s32 @p2 $0x0;
	p2 =	sgt.s32 s16, $0xFFF  }
0x18: {  	s16 =	smov.u32 @p2 s2;
	p2 =	sne.s32 s11, s7  }
.Ltmp1:
0x19: {  	p1 =	slt.u32 s11, $0x2;
	(pc) =	sbr.rel @!p2 .LBB1_6-.Ltmp1, $4  }
0x1a: {  	s15 =	simm.s32 @!p1 $0x2  }
0x1b: {  	s13 =	smov.u32 s10;
	p0 =	por !p0, !p0;
	_ =	swait.ge @!p1 [sflag:s15], $0x1000  }
0x1c: {  	s12 =	smov.u32 s9;
	[sflag:s15] =	ssyncset.done @!p1 $0x0;
	s9 =	smov.u32 s14  }
0x1d: {  	s11 =	sadd.s32 $0x1, s11;
	[sflag:s15] =	ssyncadd.s32 @!p1 $0xFFFFF000;
	s10 =	smov.u32 s16  }
.LBB1_1:
0x1e: {  	p1 =	sge.u32 s11, s5  }
0x1f: {  	s14 =	sand.u32 @!p1 $0x1FFFFFF, s9  }
0x20: {  	s15 =	smulhi.u32 @!p1 $0x147AE15, s14;
	_ =	sdelay $0x1  }
0x21: {  	s15 =	smul.u32 @!p1 $0xC8, s15  }
0x22: {  	s16 =	sxor.u32 @!p1 $0xFFFFFFFF, s11;
	s17 =	smul.u32 @!p1 $0xC80, s10  }
0x23: {  	s31 =	sadd.s32 $0xFFFFFFFF, s11;
	s16 =	sshll.u32 @!p1 s16, $0xC;
	s14 =	ssub.s32 @!p1 s14, s15  }
0x24: {  	s15 =	sand.u32 @!p1 $0x1000, s16;
	s16 =	sadd.s32 @!p1 s6, s17;
	s14 =	sshll.u32 @!p1 s14, $0x4  }
0x25: {  	s17 =	simm.s32 @!p1 $0x6400;
	s14 =	sadd.s32 @!p1 s14, s16;
	s16 =	simm.s32 @!p1 $0x20  }
0x26: {  	[tilespmem:s15], [sflag:$0x1] =	stream.strided.gather @!p1 [hbm4b:s14+s16], $0x1000, s17, s16, $0x38;
	[tilespmem:$0x4040] =	vst v63  }
0x27: {  	p1 =	sge.u32 s31, s5  }
.Ltmp2:
0x28: {  	_ = 	snop;
	(pc) =	sbr.rel @p1 .LBB1_5-.Ltmp2, $1  }
0x29: {  	_ =	sdelay $0x3  }
0x2a: {  	s14 =	simm.s32 $0x1  }
0x2b: {  	_ =	swait.ge [sflag:s4], $0x1000;
	s14 =	simm.s32 @!p0 $0x0  }
0x2c: {  	[sflag:s4] =	ssyncset.done $0x0;
	s15 =	sshll.u32 s14, $0xC  }
0x2d: {  	[sflag:s4] =	ssyncadd.s32 $0xFFFFF000;
	s18 =	sor.u32 $0x10, s15  }
0x2e: {  	s14 =	smul.u32 $0x4080, s14;
	v1 =	vld [tilespmem:s18+$0x0]  }
0x2f: {  	s30 =	sand.u32 $0x1, s11;
	v0 =	vld [tilespmem:s18+$0xFFFFFFF0]  }
0x30: {  	s15 =	smul.u32 $0x4080, s30;
	s14 =	sshrl.u32 s14, $0x2  }
0x31: {  	s16 =	sor.u32 $0x2000, s14  }
0x32: {  	s31 =	sshrl.u32 s15, $0x2;
	s15 =	sadd.s32 $0x0, s16  }
0x33: {  	s17 =	simm.s32 $0x4;
	s18 =	sadd.s32 $0x20, s18;
	s14 =	sor.u32 $0x2000, s31;
	[tilespmem:s15+$0x810 ss:$0x81] =	vst.msk $0xffff, v1  }
.LBB1_3:
0x34: {  	v1 =	vld [tilespmem:s18+$0x0];
	p1 =	sne.s32 s17, $0x1FC;
	[tilespmem:s15+$0x0 ss:$0x81] =	vst.msk $0xffff, v0;
	s15 =	smov.u32 s17;
	s17 =	sadd.s32 $0x4, s17  }
.Ltmp3:
0x35: {  	v0 =	vld [tilespmem:s18+$0xFFFFFFF0];
	(pc) =	sbr.rel @p1 .LBB1_3-.Ltmp3, $4  }
0x36: {  	_ = 	snop  }
0x37: {  	s15 =	sshra.s32 s15, $0x2  }
0x38: {  	s15 =	sadd.s32 s15, s16  }
0x39: {  	s18 =	sadd.s32 $0x20, s18;
	[tilespmem:s15+$0x810 ss:$0x81] =	vst.msk $0xffff, v1  }
.Ltmp4:
0x3a: {  	_ = 	snop;
	(pc) =	sbr.rel .LBB1_4-.Ltmp4, $1  }
0x3b: {  	_ =	sdelay $0x3  }
.LBB1_6:
0x3c: {  	_ =	sfence.sel $0x180000  }
0x3d: {  	s2 =	simm.s32 $0x1;
	[bflag:$0x0] =	sbarrier.arrive $0xFFFF  }
0x3e: {  	s31 =	simm.s32 $0x2;
	[sflag:s2] =	ssyncpa.u1 $0x1  }
0x3f: {  	[sflag:s31] =	ssyncpa.u1 $0x1  }
0x40: {  	p0 =	sne.s32 s0, $0x0;
	_ =	strace $0x9000004A  }
0x41: {  	s0 =	sadd.s32 @!p0 $0x100000, s1;
	[bflag:$0x2] =	sbarrier.arrive $0xFFFF  }
0x42: {  	[sflag:s0] =	ssyncadd.tile.s32 @!p0 $0x1;
	_ =	shalt  }
.Lfunc_end1:
_tile_overlayer_lowered:
.L_overlay_start_2:
0x43: {  	(tag) =	ssettag $0x2  }
0x44: {  	s0 =	rddreg [dreg:$0x0];
	s2 =	stileid.u32  }
0x45: {  	s1 =	rddreg [dreg:$0x1];
	p0 =	sne.s32 s2, $0x0  }
0x46: {  	s3 =	rddreg [dreg:$0x2];
	[bflag:$0x3] =	sbarrier.arrive $0xFFFF;
	s2 =	simm.s32 @!p0 $0x1C01  }
0x47: {  	[timem:s3], [sflag:s2] =	dma.local @!p0 [hbm:s0], s1  }
0x48: {  	s0 =	simm.s32 @!p0 $0x1  }
0x49: {  	_ =	swait.ge @!p0 [sflag:s0], s1  }
0x4a: {  	s1 =	ssub.s32 @!p0 $0x0, s1;
	[sflag:s0] =	ssyncset.done @!p0 $0x0  }
0x4b: {  	[sflag:s0] =	ssyncadd.s32 @!p0 s1  }
0x4c: {  	[bflag:$0x3] =	sbarrier.arrive $0xFFFF  }
0x4d: {  	_ =	shalt  }

</sc_bundles>
